<compile_context>
chip_gen: v7x
topology: tpu7x:2x2x1
jax: 0.10.2.dev20260603
libtpu: 0.0.44.dev20260713+nightly
codegen_flags: <defaults>
</compile_context>

<pallas_src>
import functools

import jax
import jax.numpy as jnp
from jax import lax
from jax.experimental import pallas as pl
from jax.experimental.pallas import tpu as pltpu
from jax.experimental.pallas import tpu_sc as plsc

_NUM_CORES = 2
_NUM_SUBCORES = 16
_BLK_EDGES = 128


def _round_up(a, m):
    return (a + m - 1) // m * m


def _dense_two(h, W_rel, W_root, b, blk_rows):
    R, D = h.shape

    def body(h_ref, wr_ref, wo_ref, b_ref, m_ref, r_ref):
        hb = h_ref[...]
        dn = (((1,), (1,)), ((), ()))
        m_ref[...] = lax.dot_general(hb, wr_ref[...], dn,
                                     preferred_element_type=jnp.float32)
        r_ref[...] = lax.dot_general(hb, wo_ref[...], dn,
                                     preferred_element_type=jnp.float32) + b_ref[...]

    return pl.pallas_call(
        body,
        grid=(R // blk_rows,),
        in_specs=[
            pl.BlockSpec((blk_rows, D), lambda i: (i, 0)),
            pl.BlockSpec((D, D), lambda i: (0, 0)),
            pl.BlockSpec((D, D), lambda i: (0, 0)),
            pl.BlockSpec((1, D), lambda i: (0, 0)),
        ],
        out_specs=[
            pl.BlockSpec((blk_rows, D), lambda i: (i, 0)),
            pl.BlockSpec((blk_rows, D), lambda i: (i, 0)),
        ],
        out_shape=[
            jax.ShapeDtypeStruct((R, D), jnp.float32),
            jax.ShapeDtypeStruct((R, D), jnp.float32),
        ],
    )(h, W_rel, W_root, b)


def _fused_dense_two(parts, r_prev, W_rel, W_root, b, blk_rows):
    _, R, D = parts.shape

    def body(p_ref, rp_ref, wr_ref, wo_ref, b_ref, m_ref, r_ref):
        hb = jnp.maximum(p_ref[0] + p_ref[1] + rp_ref[...], 0.0)
        dn = (((1,), (1,)), ((), ()))
        m_ref[...] = lax.dot_general(hb, wr_ref[...], dn,
                                     preferred_element_type=jnp.float32)
        r_ref[...] = lax.dot_general(hb, wo_ref[...], dn,
                                     preferred_element_type=jnp.float32) + b_ref[...]

    return pl.pallas_call(
        body,
        grid=(R // blk_rows,),
        in_specs=[
            pl.BlockSpec((2, blk_rows, D), lambda i: (0, i, 0)),
            pl.BlockSpec((blk_rows, D), lambda i: (i, 0)),
            pl.BlockSpec((D, D), lambda i: (0, 0)),
            pl.BlockSpec((D, D), lambda i: (0, 0)),
            pl.BlockSpec((1, D), lambda i: (0, 0)),
        ],
        out_specs=[
            pl.BlockSpec((blk_rows, D), lambda i: (i, 0)),
            pl.BlockSpec((blk_rows, D), lambda i: (i, 0)),
        ],
        out_shape=[
            jax.ShapeDtypeStruct((R, D), jnp.float32),
            jax.ShapeDtypeStruct((R, D), jnp.float32),
        ],
    )(parts, r_prev, W_rel, W_root, b)


def _combine(parts, r, blk_rows):
    _, R, D = parts.shape

    def body(p_ref, r_ref, o_ref):
        o_ref[...] = jnp.maximum(p_ref[0] + p_ref[1] + r_ref[...], 0.0)

    return pl.pallas_call(
        body,
        grid=(R // blk_rows,),
        in_specs=[
            pl.BlockSpec((2, blk_rows, D), lambda i: (0, i, 0)),
            pl.BlockSpec((blk_rows, D), lambda i: (i, 0)),
        ],
        out_specs=pl.BlockSpec((blk_rows, D), lambda i: (i, 0)),
        out_shape=jax.ShapeDtypeStruct((R, D), jnp.float32),
    )(parts, r)


def _sc_segsum(m, srcb, dstb, zeros, n_acc, rows_per_tile, bpt0, bpt1):
    D = m.shape[1]
    mesh = plsc.VectorSubcoreMesh(core_axis_name="c", subcore_axis_name="s",
                                  num_cores=_NUM_CORES,
                                  num_subcores=_NUM_SUBCORES)

    @functools.partial(
        pl.kernel,
        out_type=jax.ShapeDtypeStruct((_NUM_CORES, n_acc, D), jnp.float32),
        mesh=mesh,
        scratch_types=[
            pltpu.VMEM((_BLK_EDGES,), jnp.int32),
            pltpu.VMEM((_BLK_EDGES,), jnp.int32),
            pltpu.VMEM((_BLK_EDGES, D), jnp.float32),
            pltpu.VMEM_SHARED((n_acc, D), jnp.float32),
            pltpu.SemaphoreType.DMA,
        ],
    )
    def k(m_hbm, srcb_hbm, dstb_hbm, z_hbm, out_hbm, idx_s, idx_d, rows_v,
          acc_sh, sem):
        c = lax.axis_index("c")
        s = lax.axis_index("s")
        my_rows = pl.ds(s * rows_per_tile, rows_per_tile)
        pltpu.sync_copy(z_hbm, acc_sh.at[my_rows])
        plsc.subcore_barrier()
        base = jnp.where(c == 0, s * bpt0, _NUM_SUBCORES * bpt0 + s * bpt1)

        def body(j):
            blk = base + j
            pltpu.sync_copy(srcb_hbm.at[blk], idx_s)
            pltpu.sync_copy(dstb_hbm.at[blk], idx_d)
            pltpu.async_copy(m_hbm.at[idx_s], rows_v, sem).wait()
            pltpu.sync_copy(rows_v, acc_sh.at[idx_d], add=True)

        @pl.loop(0, bpt1)
        def _(j):
            body(j)

        @pl.when(c == 0)
        def _():
            @pl.loop(bpt1, bpt0)
            def _(j):
                body(j)

        plsc.subcore_barrier()
        pltpu.sync_copy(acc_sh.at[my_rows], out_hbm.at[c].at[my_rows])

    return k(m, srcb, dstb, zeros)


def kernel(x, edge_index, W1_rel, W1_root, b1, W2_rel, W2_root, b2):
    N, D = x.shape
    E = edge_index.shape[1]
    nw = _NUM_CORES * _NUM_SUBCORES

    blocks_per_tile = -(-E // (nw * _BLK_EDGES))
    tot_bpt = 2 * blocks_per_tile
    bpt0 = max(min(int(tot_bpt * 0.6), tot_bpt - 1), 1)
    bpt1 = tot_bpt - bpt0
    e_pad = nw * _BLK_EDGES * blocks_per_tile
    rows_per_tile = _round_up(-(-(N + 1) // _NUM_SUBCORES), 64)
    n_acc = _NUM_SUBCORES * rows_per_tile

    src = edge_index[0].astype(jnp.int32)
    dst = edge_index[1].astype(jnp.int32)
    pad = e_pad - E
    srcb = jnp.pad(src, (0, pad), constant_values=N).reshape(e_pad // _BLK_EDGES,
                                                             _BLK_EDGES)
    dstb = jnp.pad(dst, (0, pad), constant_values=N).reshape(e_pad // _BLK_EDGES,
                                                             _BLK_EDGES)
    xp = jnp.pad(x, ((0, n_acc - N), (0, 0)))
    zeros = jnp.zeros((rows_per_tile, D), jnp.float32)
    b1r = b1.reshape(1, D)
    b2r = b2.reshape(1, D)

    blk_rows = 1024 if n_acc % 1024 == 0 else 64

    m1, r1 = _dense_two(xp, W1_rel, W1_root, b1r, blk_rows)
    parts1 = _sc_segsum(m1, srcb, dstb, zeros, n_acc, rows_per_tile,
                        bpt0, bpt1)
    m2, r2 = _fused_dense_two(parts1, r1, W2_rel, W2_root, b2r, blk_rows)
    parts2 = _sc_segsum(m2, srcb, dstb, zeros, n_acc, rows_per_tile,
                        bpt0, bpt1)
    out = _combine(parts2, r2, blk_rows)
    return out[:N]

# --- scband reference (transcript-rebuilt; emitter-appended) ---
"""Pipeline reference for scband-graph-conv-module-34677565948515 (READ-ONLY COPY).

The authoritative reference and input builder live on the scoring server;
editing this copy changes nothing except your own understanding.
"""

import jax, jax.numpy as jnp
import numpy as np

N = 10000
E = 320000
D_IN = 128
D_H = 128

def setup_inputs(seed: int = 0) -> dict:
    key = jax.random.key(seed)
    ks = jax.random.split(key, 8)
    x = jax.random.normal(ks[0], (N, D_IN), dtype=jnp.float32)
    edge_index = jax.random.randint(ks[1], (2, E), 0, N, dtype=jnp.int64)
    # GraphConv layer 1: lin_rel (with bias), lin_root (no bias)
    W1_rel = jax.random.normal(ks[2], (D_H, D_IN), dtype=jnp.float32) * 0.05
    W1_root = jax.random.normal(ks[3], (D_H, D_IN), dtype=jnp.float32) * 0.05
    b1 = jnp.zeros((D_H,), dtype=jnp.float32)
    # GraphConv layer 2
    W2_rel = jax.random.normal(ks[4], (D_H, D_H), dtype=jnp.float32) * 0.05
    W2_root = jax.random.normal(ks[5], (D_H, D_H), dtype=jnp.float32) * 0.05
    b2 = jnp.zeros((D_H,), dtype=jnp.float32)
    return {"x": x, "edge_index": edge_index,
            "W1_rel": W1_rel, "W1_root": W1_root, "b1": b1,
            "W2_rel": W2_rel, "W2_root": W2_root, "b2": b2}

def _graph_conv(h, src, dst, W_rel, W_root, b):
    # PyG GraphConv (aggr='add'): out_i = W_root h_i + W_rel * sum_{j->i} h_j + b
    msgs = jnp.take(h, src, axis=0)
    agg = jax.ops.segment_sum(msgs, dst, num_segments=h.shape[0])
    return agg @ W_rel.T + h @ W_root.T + b

def reference(x, edge_index, W1_rel, W1_root, b1, W2_rel, W2_root, b2):
    # Dropout is identity in eval mode.
    src = edge_index[0]
    dst = edge_index[1]
    h = x
    h = _graph_conv(h, src, dst, W1_rel, W1_root, b1)
    h = jax.nn.relu(h)
    h = _graph_conv(h, src, dst, W2_rel, W2_root, b2)
    h = jax.nn.relu(h)
    return h

if __name__ == "__main__":
    import jax
    _d = setup_inputs()
    print(jax.jit(kernel)(*tuple(_d.values())))

</pallas_src>

<mosaic_0001>
#map = affine_map<(d0, d1) -> (0, 0)>
#map1 = affine_map<(d0, d1) -> (0, 0, 0)>
module attributes {stable_mosaic.version = 14 : i64} {
  func.func @k(%arg0: i32, %arg1: i32, %arg2: memref<10240x128xf32, #tpu.memory_space<hbm>>, %arg3: memref<2528x128xi32, #tpu.memory_space<hbm>>, %arg4: memref<2528x128xi32, #tpu.memory_space<hbm>>, %arg5: memref<640x128xf32, #tpu.memory_space<hbm>>, %arg6: memref<2x10240x128xf32, #tpu.memory_space<hbm>>, %arg7: memref<128xi32, #tpu.memory_space<vmem>>, %arg8: memref<128xi32, #tpu.memory_space<vmem>>, %arg9: memref<128x128xf32, #tpu.memory_space<vmem>>, %arg10: memref<10240x128xf32, #tpu.memory_space<vmem_shared>>, %arg11: memref<!tpu.dma_semaphore, #tpu.memory_space<semaphore_mem>>) attributes {dimension_semantics = [#tpu.dimension_semantics<core_parallel>, #tpu.dimension_semantics<subcore_parallel>], iteration_bounds = array<i64: 2, 16>, scalar_prefetch = 0 : i64, scratch_operands = 5 : i64, tpu.core_type = #tpu.core_type<sc_vector_subcore>, window_params = [{transform_indices = #map}, {transform_indices = #map}, {transform_indices = #map}, {transform_indices = #map}, {transform_indices = #map1}]} {
    %mul3A = arith.constant 640 : i32
    %mul3A_0 = arith.muli %arg1, %mul3A : i32
    "tpu.region"() ({
      %run_scoped3A = tpu.sem_alloc : memref<!tpu.dma_semaphore, #tpu.memory_space<semaphore_mem>>
      %dma_start3A = arith.constant 0 : i32
      %dma_start3A_15 = tpu.memref_slice %arg10[%mul3A_0, %dma_start3A] : memref<10240x128xf32, #tpu.memory_space<vmem_shared>> -> memref<640x128xf32, #tpu.memory_space<vmem_shared>>
      tpu.enqueue_dma source(%arg5 : memref<640x128xf32, #tpu.memory_space<hbm>>) target(%dma_start3A_15 : memref<640x128xf32, #tpu.memory_space<vmem_shared>>) target_semaphore(%run_scoped3A : memref<!tpu.dma_semaphore, #tpu.memory_space<semaphore_mem>>)
      %dma_wait3A = arith.constant 0 : i32
      %dma_wait3A_16 = tpu.memref_slice %arg10[%mul3A_0, %dma_wait3A] : memref<10240x128xf32, #tpu.memory_space<vmem_shared>> -> memref<640x128xf32, #tpu.memory_space<vmem_shared>>
      tpu.wait_dma2 semaphore(%run_scoped3A : memref<!tpu.dma_semaphore, #tpu.memory_space<semaphore_mem>>) src(%arg5 : memref<640x128xf32, #tpu.memory_space<hbm>>) dst(%dma_wait3A_16 : memref<640x128xf32, #tpu.memory_space<vmem_shared>>)
      tpu.yield
    }) : () -> ()
    %barrier3A = arith.constant 0 : index
    tpu.barrier barrier_id(%barrier3A)
    %eq3A = arith.constant 0 : i32
    %eq3A_1 = arith.cmpi eq, %arg0, %eq3A : i32
    %mul3A_2 = arith.constant 94 : i32
    %mul3A_3 = arith.muli %arg1, %mul3A_2 : i32
    %mul3A_4 = arith.constant 64 : i32
    %mul3A_5 = arith.muli %arg1, %mul3A_4 : i32
    %add3A = arith.constant 1504 : i32
    %add3A_6 = arith.addi %add3A, %mul3A_5 : i32
    %select_n3A = arith.select %eq3A_1, %mul3A_3, %add3A_6 : i32
    %scan3A = arith.constant 0 : i32
    %scan3A_7 = arith.constant 64 : i32
    %scan3A_8 = arith.addi %scan3A, %scan3A_7 : i32
    %scan3A_9 = arith.constant 1 : i32
    scf.for %scan3A_15 = %scan3A to %scan3A_8 step %scan3A_9  : i32 {
      %mul3A_16 = arith.constant 1 : i32
      %mul3A_17 = arith.muli %scan3A_15, %mul3A_16 : i32
      %add3A_18 = arith.constant 0 : i32
      %add3A_19 = arith.addi %add3A_18, %mul3A_17 : i32
      %add3A_20 = arith.addi %select_n3A, %add3A_19 : i32
      "tpu.region"() ({
        %run_scoped3A = tpu.sem_alloc : memref<!tpu.dma_semaphore, #tpu.memory_space<semaphore_mem>>
        %dma_start3A_25 = arith.constant 0 : i32
        %dma_start3A_26 = tpu.memref_slice %arg3[%add3A_20, %dma_start3A_25] : memref<2528x128xi32, #tpu.memory_space<hbm>> -> memref<1x128xi32, #tpu.memory_space<hbm>>
        %dma_start3A_27 = tpu.memref_squeeze %dma_start3A_26 : memref<1x128xi32, #tpu.memory_space<hbm>> -> memref<128xi32, #tpu.memory_space<hbm>>
        %dma_start3A_28 = arith.constant 0 : i32
        %dma_start3A_29 = tpu.memref_slice %arg3[%add3A_20, %dma_start3A_28] : memref<2528x128xi32, #tpu.memory_space<hbm>> -> memref<1x128xi32, #tpu.memory_space<hbm>>
        %dma_start3A_30 = tpu.memref_squeeze %dma_start3A_29 : memref<1x128xi32, #tpu.memory_space<hbm>> -> memref<128xi32, #tpu.memory_space<hbm>>
        tpu.enqueue_dma source(%dma_start3A_30 : memref<128xi32, #tpu.memory_space<hbm>>) target(%arg7 : memref<128xi32, #tpu.memory_space<vmem>>) target_semaphore(%run_scoped3A : memref<!tpu.dma_semaphore, #tpu.memory_space<semaphore_mem>>)
        %dma_wait3A_31 = arith.constant 0 : i32
        %dma_wait3A_32 = tpu.memref_slice %arg3[%add3A_20, %dma_wait3A_31] : memref<2528x128xi32, #tpu.memory_space<hbm>> -> memref<1x128xi32, #tpu.memory_space<hbm>>
        %dma_wait3A_33 = tpu.memref_squeeze %dma_wait3A_32 : memref<1x128xi32, #tpu.memory_space<hbm>> -> memref<128xi32, #tpu.memory_space<hbm>>
        %dma_wait3A_34 = arith.constant 0 : i32
        %dma_wait3A_35 = tpu.memref_slice %arg3[%add3A_20, %dma_wait3A_34] : memref<2528x128xi32, #tpu.memory_space<hbm>> -> memref<1x128xi32, #tpu.memory_space<hbm>>
        %dma_wait3A_36 = tpu.memref_squeeze %dma_wait3A_35 : memref<1x128xi32, #tpu.memory_space<hbm>> -> memref<128xi32, #tpu.memory_space<hbm>>
        tpu.wait_dma2 semaphore(%run_scoped3A : memref<!tpu.dma_semaphore, #tpu.memory_space<semaphore_mem>>) src(%dma_wait3A_36 : memref<128xi32, #tpu.memory_space<hbm>>) dst(%arg7 : memref<128xi32, #tpu.memory_space<vmem>>)
        tpu.yield
      }) : () -> ()
      "tpu.region"() ({
        %run_scoped3A = tpu.sem_alloc : memref<!tpu.dma_semaphore, #tpu.memory_space<semaphore_mem>>
        %dma_start3A_25 = arith.constant 0 : i32
        %dma_start3A_26 = tpu.memref_slice %arg4[%add3A_20, %dma_start3A_25] : memref<2528x128xi32, #tpu.memory_space<hbm>> -> memref<1x128xi32, #tpu.memory_space<hbm>>
        %dma_start3A_27 = tpu.memref_squeeze %dma_start3A_26 : memref<1x128xi32, #tpu.memory_space<hbm>> -> memref<128xi32, #tpu.memory_space<hbm>>
        %dma_start3A_28 = arith.constant 0 : i32
        %dma_start3A_29 = tpu.memref_slice %arg4[%add3A_20, %dma_start3A_28] : memref<2528x128xi32, #tpu.memory_space<hbm>> -> memref<1x128xi32, #tpu.memory_space<hbm>>
        %dma_start3A_30 = tpu.memref_squeeze %dma_start3A_29 : memref<1x128xi32, #tpu.memory_space<hbm>> -> memref<128xi32, #tpu.memory_space<hbm>>
        tpu.enqueue_dma source(%dma_start3A_30 : memref<128xi32, #tpu.memory_space<hbm>>) target(%arg8 : memref<128xi32, #tpu.memory_space<vmem>>) target_semaphore(%run_scoped3A : memref<!tpu.dma_semaphore, #tpu.memory_space<semaphore_mem>>)
        %dma_wait3A_31 = arith.constant 0 : i32
        %dma_wait3A_32 = tpu.memref_slice %arg4[%add3A_20, %dma_wait3A_31] : memref<2528x128xi32, #tpu.memory_space<hbm>> -> memref<1x128xi32, #tpu.memory_space<hbm>>
        %dma_wait3A_33 = tpu.memref_squeeze %dma_wait3A_32 : memref<1x128xi32, #tpu.memory_space<hbm>> -> memref<128xi32, #tpu.memory_space<hbm>>
        %dma_wait3A_34 = arith.constant 0 : i32
        %dma_wait3A_35 = tpu.memref_slice %arg4[%add3A_20, %dma_wait3A_34] : memref<2528x128xi32, #tpu.memory_space<hbm>> -> memref<1x128xi32, #tpu.memory_space<hbm>>
        %dma_wait3A_36 = tpu.memref_squeeze %dma_wait3A_35 : memref<1x128xi32, #tpu.memory_space<hbm>> -> memref<128xi32, #tpu.memory_space<hbm>>
        tpu.wait_dma2 semaphore(%run_scoped3A : memref<!tpu.dma_semaphore, #tpu.memory_space<semaphore_mem>>) src(%dma_wait3A_36 : memref<128xi32, #tpu.memory_space<hbm>>) dst(%arg8 : memref<128xi32, #tpu.memory_space<vmem>>)
        tpu.yield
      }) : () -> ()
      %dma_start3A = arith.constant 0 : i32
      %dma_start3A_21 = arith.constant 0 : i32
      %dma_start3A_22 = tpu.memref_slice %arg2[%dma_start3A, %dma_start3A_21] : memref<10240x128xf32, #tpu.memory_space<hbm>> -> memref<10240x128xf32, #tpu.memory_space<hbm>>
      tpu.enqueue_indirect_dma source(%dma_start3A_22 : memref<10240x128xf32, #tpu.memory_space<hbm>>) target(%arg9 : memref<128x128xf32, #tpu.memory_space<vmem>>) offsets(%arg7 : memref<128xi32, #tpu.memory_space<vmem>>) semaphore(%arg11 : memref<!tpu.dma_semaphore, #tpu.memory_space<semaphore_mem>>)
      %dma_wait3A = arith.constant 0 : i32
      %dma_wait3A_23 = arith.constant 0 : i32
      %dma_wait3A_24 = tpu.memref_slice %arg2[%dma_wait3A, %dma_wait3A_23] : memref<10240x128xf32, #tpu.memory_space<hbm>> -> memref<10240x128xf32, #tpu.memory_space<hbm>>
      tpu.wait_indirect_dma semaphore(%arg11 : memref<!tpu.dma_semaphore, #tpu.memory_space<semaphore_mem>>) src(%dma_wait3A_24 : memref<10240x128xf32, #tpu.memory_space<hbm>>) dst(%arg9 : memref<128x128xf32, #tpu.memory_space<vmem>>)
      "tpu.region"() ({
        %run_scoped3A = tpu.sem_alloc : memref<!tpu.dma_semaphore, #tpu.memory_space<semaphore_mem>>
        %dma_start3A_25 = arith.constant 0 : i32
        %dma_start3A_26 = arith.constant 0 : i32
        %dma_start3A_27 = tpu.memref_slice %arg10[%dma_start3A_25, %dma_start3A_26] : memref<10240x128xf32, #tpu.memory_space<vmem_shared>> -> memref<10240x128xf32, #tpu.memory_space<vmem_shared>>
        tpu.enqueue_indirect_dma source(%arg9 : memref<128x128xf32, #tpu.memory_space<vmem>>) target(%dma_start3A_27 : memref<10240x128xf32, #tpu.memory_space<vmem_shared>>) offsets(%arg8 : memref<128xi32, #tpu.memory_space<vmem>>) semaphore(%run_scoped3A : memref<!tpu.dma_semaphore, #tpu.memory_space<semaphore_mem>>) {add = true}
        %dma_wait3A_28 = arith.constant 0 : i32
        %dma_wait3A_29 = arith.constant 0 : i32
        %dma_wait3A_30 = tpu.memref_slice %arg10[%dma_wait3A_28, %dma_wait3A_29] : memref<10240x128xf32, #tpu.memory_space<vmem_shared>> -> memref<10240x128xf32, #tpu.memory_space<vmem_shared>>
        tpu.wait_indirect_dma semaphore(%run_scoped3A : memref<!tpu.dma_semaphore, #tpu.memory_space<semaphore_mem>>) src(%arg9 : memref<128x128xf32, #tpu.memory_space<vmem>>) dst(%dma_wait3A_30 : memref<10240x128xf32, #tpu.memory_space<vmem_shared>>)
        tpu.yield
      }) : () -> ()
    }
    %scan3A_10 = arith.constant 64 : i32
    %eq3A_11 = arith.constant 0 : i32
    %eq3A_12 = arith.cmpi eq, %arg0, %eq3A_11 : i32
    %convert_element_type3A = arith.extui %eq3A_12 : i1 to i32
    %cond3A = arith.constant 0 : i32
    %cond3A_13 = arith.cmpi ne, %convert_element_type3A, %cond3A : i32
    scf.if %cond3A_13 {
      %scan3A_15 = arith.constant 0 : i32
      %scan3A_16 = arith.constant 30 : i32
      %scan3A_17 = arith.addi %scan3A_15, %scan3A_16 : i32
      %scan3A_18 = arith.constant 1 : i32
      scf.for %scan3A_20 = %scan3A_15 to %scan3A_17 step %scan3A_18  : i32 {
        %mul3A_21 = arith.constant 1 : i32
        %mul3A_22 = arith.muli %scan3A_20, %mul3A_21 : i32
        %add3A_23 = arith.constant 64 : i32
        %add3A_24 = arith.addi %add3A_23, %mul3A_22 : i32
        %add3A_25 = arith.addi %select_n3A, %add3A_24 : i32
        "tpu.region"() ({
          %run_scoped3A = tpu.sem_alloc : memref<!tpu.dma_semaphore, #tpu.memory_space<semaphore_mem>>
          %dma_start3A_30 = arith.constant 0 : i32
          %dma_start3A_31 = tpu.memref_slice %arg3[%add3A_25, %dma_start3A_30] : memref<2528x128xi32, #tpu.memory_space<hbm>> -> memref<1x128xi32, #tpu.memory_space<hbm>>
          %dma_start3A_32 = tpu.memref_squeeze %dma_start3A_31 : memref<1x128xi32, #tpu.memory_space<hbm>> -> memref<128xi32, #tpu.memory_space<hbm>>
          %dma_start3A_33 = arith.constant 0 : i32
          %dma_start3A_34 = tpu.memref_slice %arg3[%add3A_25, %dma_start3A_33] : memref<2528x128xi32, #tpu.memory_space<hbm>> -> memref<1x128xi32, #tpu.memory_space<hbm>>
          %dma_start3A_35 = tpu.memref_squeeze %dma_start3A_34 : memref<1x128xi32, #tpu.memory_space<hbm>> -> memref<128xi32, #tpu.memory_space<hbm>>
          tpu.enqueue_dma source(%dma_start3A_35 : memref<128xi32, #tpu.memory_space<hbm>>) target(%arg7 : memref<128xi32, #tpu.memory_space<vmem>>) target_semaphore(%run_scoped3A : memref<!tpu.dma_semaphore, #tpu.memory_space<semaphore_mem>>)
          %dma_wait3A_36 = arith.constant 0 : i32
          %dma_wait3A_37 = tpu.memref_slice %arg3[%add3A_25, %dma_wait3A_36] : memref<2528x128xi32, #tpu.memory_space<hbm>> -> memref<1x128xi32, #tpu.memory_space<hbm>>
          %dma_wait3A_38 = tpu.memref_squeeze %dma_wait3A_37 : memref<1x128xi32, #tpu.memory_space<hbm>> -> memref<128xi32, #tpu.memory_space<hbm>>
          %dma_wait3A_39 = arith.constant 0 : i32
          %dma_wait3A_40 = tpu.memref_slice %arg3[%add3A_25, %dma_wait3A_39] : memref<2528x128xi32, #tpu.memory_space<hbm>> -> memref<1x128xi32, #tpu.memory_space<hbm>>
          %dma_wait3A_41 = tpu.memref_squeeze %dma_wait3A_40 : memref<1x128xi32, #tpu.memory_space<hbm>> -> memref<128xi32, #tpu.memory_space<hbm>>
          tpu.wait_dma2 semaphore(%run_scoped3A : memref<!tpu.dma_semaphore, #tpu.memory_space<semaphore_mem>>) src(%dma_wait3A_41 : memref<128xi32, #tpu.memory_space<hbm>>) dst(%arg7 : memref<128xi32, #tpu.memory_space<vmem>>)
          tpu.yield
        }) : () -> ()
        "tpu.region"() ({
          %run_scoped3A = tpu.sem_alloc : memref<!tpu.dma_semaphore, #tpu.memory_space<semaphore_mem>>
          %dma_start3A_30 = arith.constant 0 : i32
          %dma_start3A_31 = tpu.memref_slice %arg4[%add3A_25, %dma_start3A_30] : memref<2528x128xi32, #tpu.memory_space<hbm>> -> memref<1x128xi32, #tpu.memory_space<hbm>>
          %dma_start3A_32 = tpu.memref_squeeze %dma_start3A_31 : memref<1x128xi32, #tpu.memory_space<hbm>> -> memref<128xi32, #tpu.memory_space<hbm>>
          %dma_start3A_33 = arith.constant 0 : i32
          %dma_start3A_34 = tpu.memref_slice %arg4[%add3A_25, %dma_start3A_33] : memref<2528x128xi32, #tpu.memory_space<hbm>> -> memref<1x128xi32, #tpu.memory_space<hbm>>
          %dma_start3A_35 = tpu.memref_squeeze %dma_start3A_34 : memref<1x128xi32, #tpu.memory_space<hbm>> -> memref<128xi32, #tpu.memory_space<hbm>>
          tpu.enqueue_dma source(%dma_start3A_35 : memref<128xi32, #tpu.memory_space<hbm>>) target(%arg8 : memref<128xi32, #tpu.memory_space<vmem>>) target_semaphore(%run_scoped3A : memref<!tpu.dma_semaphore, #tpu.memory_space<semaphore_mem>>)
          %dma_wait3A_36 = arith.constant 0 : i32
          %dma_wait3A_37 = tpu.memref_slice %arg4[%add3A_25, %dma_wait3A_36] : memref<2528x128xi32, #tpu.memory_space<hbm>> -> memref<1x128xi32, #tpu.memory_space<hbm>>
          %dma_wait3A_38 = tpu.memref_squeeze %dma_wait3A_37 : memref<1x128xi32, #tpu.memory_space<hbm>> -> memref<128xi32, #tpu.memory_space<hbm>>
          %dma_wait3A_39 = arith.constant 0 : i32
          %dma_wait3A_40 = tpu.memref_slice %arg4[%add3A_25, %dma_wait3A_39] : memref<2528x128xi32, #tpu.memory_space<hbm>> -> memref<1x128xi32, #tpu.memory_space<hbm>>
          %dma_wait3A_41 = tpu.memref_squeeze %dma_wait3A_40 : memref<1x128xi32, #tpu.memory_space<hbm>> -> memref<128xi32, #tpu.memory_space<hbm>>
          tpu.wait_dma2 semaphore(%run_scoped3A : memref<!tpu.dma_semaphore, #tpu.memory_space<semaphore_mem>>) src(%dma_wait3A_41 : memref<128xi32, #tpu.memory_space<hbm>>) dst(%arg8 : memref<128xi32, #tpu.memory_space<vmem>>)
          tpu.yield
        }) : () -> ()
        %dma_start3A = arith.constant 0 : i32
        %dma_start3A_26 = arith.constant 0 : i32
        %dma_start3A_27 = tpu.memref_slice %arg2[%dma_start3A, %dma_start3A_26] : memref<10240x128xf32, #tpu.memory_space<hbm>> -> memref<10240x128xf32, #tpu.memory_space<hbm>>
        tpu.enqueue_indirect_dma source(%dma_start3A_27 : memref<10240x128xf32, #tpu.memory_space<hbm>>) target(%arg9 : memref<128x128xf32, #tpu.memory_space<vmem>>) offsets(%arg7 : memref<128xi32, #tpu.memory_space<vmem>>) semaphore(%arg11 : memref<!tpu.dma_semaphore, #tpu.memory_space<semaphore_mem>>)
        %dma_wait3A = arith.constant 0 : i32
        %dma_wait3A_28 = arith.constant 0 : i32
        %dma_wait3A_29 = tpu.memref_slice %arg2[%dma_wait3A, %dma_wait3A_28] : memref<10240x128xf32, #tpu.memory_space<hbm>> -> memref<10240x128xf32, #tpu.memory_space<hbm>>
        tpu.wait_indirect_dma semaphore(%arg11 : memref<!tpu.dma_semaphore, #tpu.memory_space<semaphore_mem>>) src(%dma_wait3A_29 : memref<10240x128xf32, #tpu.memory_space<hbm>>) dst(%arg9 : memref<128x128xf32, #tpu.memory_space<vmem>>)
        "tpu.region"() ({
          %run_scoped3A = tpu.sem_alloc : memref<!tpu.dma_semaphore, #tpu.memory_space<semaphore_mem>>
          %dma_start3A_30 = arith.constant 0 : i32
          %dma_start3A_31 = arith.constant 0 : i32
          %dma_start3A_32 = tpu.memref_slice %arg10[%dma_start3A_30, %dma_start3A_31] : memref<10240x128xf32, #tpu.memory_space<vmem_shared>> -> memref<10240x128xf32, #tpu.memory_space<vmem_shared>>
          tpu.enqueue_indirect_dma source(%arg9 : memref<128x128xf32, #tpu.memory_space<vmem>>) target(%dma_start3A_32 : memref<10240x128xf32, #tpu.memory_space<vmem_shared>>) offsets(%arg8 : memref<128xi32, #tpu.memory_space<vmem>>) semaphore(%run_scoped3A : memref<!tpu.dma_semaphore, #tpu.memory_space<semaphore_mem>>) {add = true}
          %dma_wait3A_33 = arith.constant 0 : i32
          %dma_wait3A_34 = arith.constant 0 : i32
          %dma_wait3A_35 = tpu.memref_slice %arg10[%dma_wait3A_33, %dma_wait3A_34] : memref<10240x128xf32, #tpu.memory_space<vmem_shared>> -> memref<10240x128xf32, #tpu.memory_space<vmem_shared>>
          tpu.wait_indirect_dma semaphore(%run_scoped3A : memref<!tpu.dma_semaphore, #tpu.memory_space<semaphore_mem>>) src(%arg9 : memref<128x128xf32, #tpu.memory_space<vmem>>) dst(%dma_wait3A_35 : memref<10240x128xf32, #tpu.memory_space<vmem_shared>>)
          tpu.yield
        }) : () -> ()
      }
      %scan3A_19 = arith.constant 30 : i32
    } else {
    }
    %barrier3A_14 = arith.constant 0 : index
    tpu.barrier barrier_id(%barrier3A_14)
    "tpu.region"() ({
      %run_scoped3A = tpu.sem_alloc : memref<!tpu.dma_semaphore, #tpu.memory_space<semaphore_mem>>
      %dma_start3A = arith.constant 0 : i32
      %dma_start3A_15 = arith.constant 0 : i32
      %dma_start3A_16 = tpu.memref_slice %arg6[%arg0, %dma_start3A, %dma_start3A_15] : memref<2x10240x128xf32, #tpu.memory_space<hbm>> -> memref<1x10240x128xf32, #tpu.memory_space<hbm>>
      %dma_start3A_17 = tpu.memref_squeeze %dma_start3A_16 : memref<1x10240x128xf32, #tpu.memory_space<hbm>> -> memref<10240x128xf32, #tpu.memory_space<hbm>>
      %dma_start3A_18 = arith.constant 0 : i32
      %dma_start3A_19 = tpu.memref_slice %dma_start3A_17[%mul3A_0, %dma_start3A_18] : memref<10240x128xf32, #tpu.memory_space<hbm>> -> memref<640x128xf32, #tpu.memory_space<hbm>>
      %dma_start3A_20 = arith.constant 0 : i32
      %dma_start3A_21 = tpu.memref_slice %arg10[%mul3A_0, %dma_start3A_20] : memref<10240x128xf32, #tpu.memory_space<vmem_shared>> -> memref<640x128xf32, #tpu.memory_space<vmem_shared>>
      tpu.enqueue_dma source(%dma_start3A_21 : memref<640x128xf32, #tpu.memory_space<vmem_shared>>) target(%dma_start3A_19 : memref<640x128xf32, #tpu.memory_space<hbm>>) target_semaphore(%run_scoped3A : memref<!tpu.dma_semaphore, #tpu.memory_space<semaphore_mem>>)
      %dma_wait3A = arith.constant 0 : i32
      %dma_wait3A_22 = arith.constant 0 : i32
      %dma_wait3A_23 = tpu.memref_slice %arg6[%arg0, %dma_wait3A, %dma_wait3A_22] : memref<2x10240x128xf32, #tpu.memory_space<hbm>> -> memref<1x10240x128xf32, #tpu.memory_space<hbm>>
      %dma_wait3A_24 = tpu.memref_squeeze %dma_wait3A_23 : memref<1x10240x128xf32, #tpu.memory_space<hbm>> -> memref<10240x128xf32, #tpu.memory_space<hbm>>
      %dma_wait3A_25 = arith.constant 0 : i32
      %dma_wait3A_26 = tpu.memref_slice %dma_wait3A_24[%mul3A_0, %dma_wait3A_25] : memref<10240x128xf32, #tpu.memory_space<hbm>> -> memref<640x128xf32, #tpu.memory_space<hbm>>
      %dma_wait3A_27 = arith.constant 0 : i32
      %dma_wait3A_28 = tpu.memref_slice %arg10[%mul3A_0, %dma_wait3A_27] : memref<10240x128xf32, #tpu.memory_space<vmem_shared>> -> memref<640x128xf32, #tpu.memory_space<vmem_shared>>
      tpu.wait_dma2 semaphore(%run_scoped3A : memref<!tpu.dma_semaphore, #tpu.memory_space<semaphore_mem>>) src(%dma_wait3A_28 : memref<640x128xf32, #tpu.memory_space<vmem_shared>>) dst(%dma_wait3A_26 : memref<640x128xf32, #tpu.memory_space<hbm>>)
      tpu.yield
    }) : () -> ()
    return
  }
}

#map = affine_map<(d0, d1) -> (0, 0)>
#map1 = affine_map<(d0, d1) -> (0, 0, 0)>
module attributes {stable_mosaic.version = 14 : i64} {
  func.func @k(%arg0: i32, %arg1: i32, %arg2: memref<10240x128xf32, #tpu.memory_space<hbm>>, %arg3: memref<2528x128xi32, #tpu.memory_space<hbm>>, %arg4: memref<2528x128xi32, #tpu.memory_space<hbm>>, %arg5: memref<640x128xf32, #tpu.memory_space<hbm>>, %arg6: memref<2x10240x128xf32, #tpu.memory_space<hbm>>, %arg7: memref<128xi32, #tpu.memory_space<vmem>>, %arg8: memref<128xi32, #tpu.memory_space<vmem>>, %arg9: memref<128x128xf32, #tpu.memory_space<vmem>>, %arg10: memref<10240x128xf32, #tpu.memory_space<vmem_shared>>, %arg11: memref<!tpu.dma_semaphore, #tpu.memory_space<semaphore_mem>>) attributes {dimension_semantics = [#tpu.dimension_semantics<core_parallel>, #tpu.dimension_semantics<subcore_parallel>], iteration_bounds = array<i64: 2, 16>, scalar_prefetch = 0 : i64, scratch_operands = 5 : i64, tpu.core_type = #tpu.core_type<sc_vector_subcore>, window_params = [{transform_indices = #map}, {transform_indices = #map}, {transform_indices = #map}, {transform_indices = #map}, {transform_indices = #map1}]} {
    %mul3A = arith.constant 640 : i32
    %mul3A_0 = arith.muli %arg1, %mul3A : i32
    "tpu.region"() ({
      %run_scoped3A = tpu.sem_alloc : memref<!tpu.dma_semaphore, #tpu.memory_space<semaphore_mem>>
      %dma_start3A = arith.constant 0 : i32
      %dma_start3A_15 = tpu.memref_slice %arg10[%mul3A_0, %dma_start3A] : memref<10240x128xf32, #tpu.memory_space<vmem_shared>> -> memref<640x128xf32, #tpu.memory_space<vmem_shared>>
      tpu.enqueue_dma source(%arg5 : memref<640x128xf32, #tpu.memory_space<hbm>>) target(%dma_start3A_15 : memref<640x128xf32, #tpu.memory_space<vmem_shared>>) target_semaphore(%run_scoped3A : memref<!tpu.dma_semaphore, #tpu.memory_space<semaphore_mem>>)
      %dma_wait3A = arith.constant 0 : i32
      %dma_wait3A_16 = tpu.memref_slice %arg10[%mul3A_0, %dma_wait3A] : memref<10240x128xf32, #tpu.memory_space<vmem_shared>> -> memref<640x128xf32, #tpu.memory_space<vmem_shared>>
      tpu.wait_dma2 semaphore(%run_scoped3A : memref<!tpu.dma_semaphore, #tpu.memory_space<semaphore_mem>>) src(%arg5 : memref<640x128xf32, #tpu.memory_space<hbm>>) dst(%dma_wait3A_16 : memref<640x128xf32, #tpu.memory_space<vmem_shared>>)
      tpu.yield
    }) : () -> ()
    %barrier3A = arith.constant 0 : index
    tpu.barrier barrier_id(%barrier3A)
    %eq3A = arith.constant 0 : i32
    %eq3A_1 = arith.cmpi eq, %arg0, %eq3A : i32
    %mul3A_2 = arith.constant 94 : i32
    %mul3A_3 = arith.muli %arg1, %mul3A_2 : i32
    %mul3A_4 = arith.constant 64 : i32
    %mul3A_5 = arith.muli %arg1, %mul3A_4 : i32
    %add3A = arith.constant 1504 : i32
    %add3A_6 = arith.addi %add3A, %mul3A_5 : i32
    %select_n3A = arith.select %eq3A_1, %mul3A_3, %add3A_6 : i32
    %scan3A = arith.constant 0 : i32
    %scan3A_7 = arith.constant 64 : i32
    %scan3A_8 = arith.addi %scan3A, %scan3A_7 : i32
    %scan3A_9 = arith.constant 1 : i32
    scf.for %scan3A_15 = %scan3A to %scan3A_8 step %scan3A_9  : i32 {
      %mul3A_16 = arith.constant 1 : i32
      %mul3A_17 = arith.muli %scan3A_15, %mul3A_16 : i32
      %add3A_18 = arith.constant 0 : i32
      %add3A_19 = arith.addi %add3A_18, %mul3A_17 : i32
      %add3A_20 = arith.addi %select_n3A, %add3A_19 : i32
      "tpu.region"() ({
        %run_scoped3A = tpu.sem_alloc : memref<!tpu.dma_semaphore, #tpu.memory_space<semaphore_mem>>
        %dma_start3A_25 = arith.constant 0 : i32
        %dma_start3A_26 = tpu.memref_slice %arg3[%add3A_20, %dma_start3A_25] : memref<2528x128xi32, #tpu.memory_space<hbm>> -> memref<1x128xi32, #tpu.memory_space<hbm>>
        %dma_start3A_27 = tpu.memref_squeeze %dma_start3A_26 : memref<1x128xi32, #tpu.memory_space<hbm>> -> memref<128xi32, #tpu.memory_space<hbm>>
        %dma_start3A_28 = arith.constant 0 : i32
        %dma_start3A_29 = tpu.memref_slice %arg3[%add3A_20, %dma_start3A_28] : memref<2528x128xi32, #tpu.memory_space<hbm>> -> memref<1x128xi32, #tpu.memory_space<hbm>>
        %dma_start3A_30 = tpu.memref_squeeze %dma_start3A_29 : memref<1x128xi32, #tpu.memory_space<hbm>> -> memref<128xi32, #tpu.memory_space<hbm>>
        tpu.enqueue_dma source(%dma_start3A_30 : memref<128xi32, #tpu.memory_space<hbm>>) target(%arg7 : memref<128xi32, #tpu.memory_space<vmem>>) target_semaphore(%run_scoped3A : memref<!tpu.dma_semaphore, #tpu.memory_space<semaphore_mem>>)
        %dma_wait3A_31 = arith.constant 0 : i32
        %dma_wait3A_32 = tpu.memref_slice %arg3[%add3A_20, %dma_wait3A_31] : memref<2528x128xi32, #tpu.memory_space<hbm>> -> memref<1x128xi32, #tpu.memory_space<hbm>>
        %dma_wait3A_33 = tpu.memref_squeeze %dma_wait3A_32 : memref<1x128xi32, #tpu.memory_space<hbm>> -> memref<128xi32, #tpu.memory_space<hbm>>
        %dma_wait3A_34 = arith.constant 0 : i32
        %dma_wait3A_35 = tpu.memref_slice %arg3[%add3A_20, %dma_wait3A_34] : memref<2528x128xi32, #tpu.memory_space<hbm>> -> memref<1x128xi32, #tpu.memory_space<hbm>>
        %dma_wait3A_36 = tpu.memref_squeeze %dma_wait3A_35 : memref<1x128xi32, #tpu.memory_space<hbm>> -> memref<128xi32, #tpu.memory_space<hbm>>
        tpu.wait_dma2 semaphore(%run_scoped3A : memref<!tpu.dma_semaphore, #tpu.memory_space<semaphore_mem>>) src(%dma_wait3A_36 : memref<128xi32, #tpu.memory_space<hbm>>) dst(%arg7 : memref<128xi32, #tpu.memory_space<vmem>>)
        tpu.yield
      }) : () -> ()
      "tpu.region"() ({
        %run_scoped3A = tpu.sem_alloc : memref<!tpu.dma_semaphore, #tpu.memory_space<semaphore_mem>>
        %dma_start3A_25 = arith.constant 0 : i32
        %dma_start3A_26 = tpu.memref_slice %arg4[%add3A_20, %dma_start3A_25] : memref<2528x128xi32, #tpu.memory_space<hbm>> -> memref<1x128xi32, #tpu.memory_space<hbm>>
        %dma_start3A_27 = tpu.memref_squeeze %dma_start3A_26 : memref<1x128xi32, #tpu.memory_space<hbm>> -> memref<128xi32, #tpu.memory_space<hbm>>
        %dma_start3A_28 = arith.constant 0 : i32
        %dma_start3A_29 = tpu.memref_slice %arg4[%add3A_20, %dma_start3A_28] : memref<2528x128xi32, #tpu.memory_space<hbm>> -> memref<1x128xi32, #tpu.memory_space<hbm>>
        %dma_start3A_30 = tpu.memref_squeeze %dma_start3A_29 : memref<1x128xi32, #tpu.memory_space<hbm>> -> memref<128xi32, #tpu.memory_space<hbm>>
        tpu.enqueue_dma source(%dma_start3A_30 : memref<128xi32, #tpu.memory_space<hbm>>) target(%arg8 : memref<128xi32, #tpu.memory_space<vmem>>) target_semaphore(%run_scoped3A : memref<!tpu.dma_semaphore, #tpu.memory_space<semaphore_mem>>)
        %dma_wait3A_31 = arith.constant 0 : i32
        %dma_wait3A_32 = tpu.memref_slice %arg4[%add3A_20, %dma_wait3A_31] : memref<2528x128xi32, #tpu.memory_space<hbm>> -> memref<1x128xi32, #tpu.memory_space<hbm>>
        %dma_wait3A_33 = tpu.memref_squeeze %dma_wait3A_32 : memref<1x128xi32, #tpu.memory_space<hbm>> -> memref<128xi32, #tpu.memory_space<hbm>>
        %dma_wait3A_34 = arith.constant 0 : i32
        %dma_wait3A_35 = tpu.memref_slice %arg4[%add3A_20, %dma_wait3A_34] : memref<2528x128xi32, #tpu.memory_space<hbm>> -> memref<1x128xi32, #tpu.memory_space<hbm>>
        %dma_wait3A_36 = tpu.memref_squeeze %dma_wait3A_35 : memref<1x128xi32, #tpu.memory_space<hbm>> -> memref<128xi32, #tpu.memory_space<hbm>>
        tpu.wait_dma2 semaphore(%run_scoped3A : memref<!tpu.dma_semaphore, #tpu.memory_space<semaphore_mem>>) src(%dma_wait3A_36 : memref<128xi32, #tpu.memory_space<hbm>>) dst(%arg8 : memref<128xi32, #tpu.memory_space<vmem>>)
        tpu.yield
      }) : () -> ()
      %dma_start3A = arith.constant 0 : i32
      %dma_start3A_21 = arith.constant 0 : i32
      %dma_start3A_22 = tpu.memref_slice %arg2[%dma_start3A, %dma_start3A_21] : memref<10240x128xf32, #tpu.memory_space<hbm>> -> memref<10240x128xf32, #tpu.memory_space<hbm>>
      tpu.enqueue_indirect_dma source(%dma_start3A_22 : memref<10240x128xf32, #tpu.memory_space<hbm>>) target(%arg9 : memref<128x128xf32, #tpu.memory_space<vmem>>) offsets(%arg7 : memref<128xi32, #tpu.memory_space<vmem>>) semaphore(%arg11 : memref<!tpu.dma_semaphore, #tpu.memory_space<semaphore_mem>>)
      %dma_wait3A = arith.constant 0 : i32
      %dma_wait3A_23 = arith.constant 0 : i32
      %dma_wait3A_24 = tpu.memref_slice %arg2[%dma_wait3A, %dma_wait3A_23] : memref<10240x128xf32, #tpu.memory_space<hbm>> -> memref<10240x128xf32, #tpu.memory_space<hbm>>
      tpu.wait_indirect_dma semaphore(%arg11 : memref<!tpu.dma_semaphore, #tpu.memory_space<semaphore_mem>>) src(%dma_wait3A_24 : memref<10240x128xf32, #tpu.memory_space<hbm>>) dst(%arg9 : memref<128x128xf32, #tpu.memory_space<vmem>>)
      "tpu.region"() ({
        %run_scoped3A = tpu.sem_alloc : memref<!tpu.dma_semaphore, #tpu.memory_space<semaphore_mem>>
        %dma_start3A_25 = arith.constant 0 : i32
        %dma_start3A_26 = arith.constant 0 : i32
        %dma_start3A_27 = tpu.memref_slice %arg10[%dma_start3A_25, %dma_start3A_26] : memref<10240x128xf32, #tpu.memory_space<vmem_shared>> -> memref<10240x128xf32, #tpu.memory_space<vmem_shared>>
        tpu.enqueue_indirect_dma source(%arg9 : memref<128x128xf32, #tpu.memory_space<vmem>>) target(%dma_start3A_27 : memref<10240x128xf32, #tpu.memory_space<vmem_shared>>) offsets(%arg8 : memref<128xi32, #tpu.memory_space<vmem>>) semaphore(%run_scoped3A : memref<!tpu.dma_semaphore, #tpu.memory_space<semaphore_mem>>) {add = true}
        %dma_wait3A_28 = arith.constant 0 : i32
        %dma_wait3A_29 = arith.constant 0 : i32
        %dma_wait3A_30 = tpu.memref_slice %arg10[%dma_wait3A_28, %dma_wait3A_29] : memref<10240x128xf32, #tpu.memory_space<vmem_shared>> -> memref<10240x128xf32, #tpu.memory_space<vmem_shared>>
        tpu.wait_indirect_dma semaphore(%run_scoped3A : memref<!tpu.dma_semaphore, #tpu.memory_space<semaphore_mem>>) src(%arg9 : memref<128x128xf32, #tpu.memory_space<vmem>>) dst(%dma_wait3A_30 : memref<10240x128xf32, #tpu.memory_space<vmem_shared>>)
        tpu.yield
      }) : () -> ()
    }
    %scan3A_10 = arith.constant 64 : i32
    %eq3A_11 = arith.constant 0 : i32
    %eq3A_12 = arith.cmpi eq, %arg0, %eq3A_11 : i32
    %convert_element_type3A = arith.extui %eq3A_12 : i1 to i32
    %cond3A = arith.constant 0 : i32
    %cond3A_13 = arith.cmpi ne, %convert_element_type3A, %cond3A : i32
    scf.if %cond3A_13 {
      %scan3A_15 = arith.constant 0 : i32
      %scan3A_16 = arith.constant 30 : i32
      %scan3A_17 = arith.addi %scan3A_15, %scan3A_16 : i32
      %scan3A_18 = arith.constant 1 : i32
      scf.for %scan3A_20 = %scan3A_15 to %scan3A_17 step %scan3A_18  : i32 {
        %mul3A_21 = arith.constant 1 : i32
        %mul3A_22 = arith.muli %scan3A_20, %mul3A_21 : i32
        %add3A_23 = arith.constant 64 : i32
        %add3A_24 = arith.addi %add3A_23, %mul3A_22 : i32
        %add3A_25 = arith.addi %select_n3A, %add3A_24 : i32
        "tpu.region"() ({
          %run_scoped3A = tpu.sem_alloc : memref<!tpu.dma_semaphore, #tpu.memory_space<semaphore_mem>>
          %dma_start3A_30 = arith.constant 0 : i32
          %dma_start3A_31 = tpu.memref_slice %arg3[%add3A_25, %dma_start3A_30] : memref<2528x128xi32, #tpu.memory_space<hbm>> -> memref<1x128xi32, #tpu.memory_space<hbm>>
          %dma_start3A_32 = tpu.memref_squeeze %dma_start3A_31 : memref<1x128xi32, #tpu.memory_space<hbm>> -> memref<128xi32, #tpu.memory_space<hbm>>
          %dma_start3A_33 = arith.constant 0 : i32
          %dma_start3A_34 = tpu.memref_slice %arg3[%add3A_25, %dma_start3A_33] : memref<2528x128xi32, #tpu.memory_space<hbm>> -> memref<1x128xi32, #tpu.memory_space<hbm>>
          %dma_start3A_35 = tpu.memref_squeeze %dma_start3A_34 : memref<1x128xi32, #tpu.memory_space<hbm>> -> memref<128xi32, #tpu.memory_space<hbm>>
          tpu.enqueue_dma source(%dma_start3A_35 : memref<128xi32, #tpu.memory_space<hbm>>) target(%arg7 : memref<128xi32, #tpu.memory_space<vmem>>) target_semaphore(%run_scoped3A : memref<!tpu.dma_semaphore, #tpu.memory_space<semaphore_mem>>)
          %dma_wait3A_36 = arith.constant 0 : i32
          %dma_wait3A_37 = tpu.memref_slice %arg3[%add3A_25, %dma_wait3A_36] : memref<2528x128xi32, #tpu.memory_space<hbm>> -> memref<1x128xi32, #tpu.memory_space<hbm>>
          %dma_wait3A_38 = tpu.memref_squeeze %dma_wait3A_37 : memref<1x128xi32, #tpu.memory_space<hbm>> -> memref<128xi32, #tpu.memory_space<hbm>>
          %dma_wait3A_39 = arith.constant 0 : i32
          %dma_wait3A_40 = tpu.memref_slice %arg3[%add3A_25, %dma_wait3A_39] : memref<2528x128xi32, #tpu.memory_space<hbm>> -> memref<1x128xi32, #tpu.memory_space<hbm>>
          %dma_wait3A_41 = tpu.memref_squeeze %dma_wait3A_40 : memref<1x128xi32, #tpu.memory_space<hbm>> -> memref<128xi32, #tpu.memory_space<hbm>>
          tpu.wait_dma2 semaphore(%run_scoped3A : memref<!tpu.dma_semaphore, #tpu.memory_space<semaphore_mem>>) src(%dma_wait3A_41 : memref<128xi32, #tpu.memory_space<hbm>>) dst(%arg7 : memref<128xi32, #tpu.memory_space<vmem>>)
          tpu.yield
        }) : () -> ()
        "tpu.region"() ({
          %run_scoped3A = tpu.sem_alloc : memref<!tpu.dma_semaphore, #tpu.memory_space<semaphore_mem>>
          %dma_start3A_30 = arith.constant 0 : i32
          %dma_start3A_31 = tpu.memref_slice %arg4[%add3A_25, %dma_start3A_30] : memref<2528x128xi32, #tpu.memory_space<hbm>> -> memref<1x128xi32, #tpu.memory_space<hbm>>
          %dma_start3A_32 = tpu.memref_squeeze %dma_start3A_31 : memref<1x128xi32, #tpu.memory_space<hbm>> -> memref<128xi32, #tpu.memory_space<hbm>>
          %dma_start3A_33 = arith.constant 0 : i32
          %dma_start3A_34 = tpu.memref_slice %arg4[%add3A_25, %dma_start3A_33] : memref<2528x128xi32, #tpu.memory_space<hbm>> -> memref<1x128xi32, #tpu.memory_space<hbm>>
          %dma_start3A_35 = tpu.memref_squeeze %dma_start3A_34 : memref<1x128xi32, #tpu.memory_space<hbm>> -> memref<128xi32, #tpu.memory_space<hbm>>
          tpu.enqueue_dma source(%dma_start3A_35 : memref<128xi32, #tpu.memory_space<hbm>>) target(%arg8 : memref<128xi32, #tpu.memory_space<vmem>>) target_semaphore(%run_scoped3A : memref<!tpu.dma_semaphore, #tpu.memory_space<semaphore_mem>>)
          %dma_wait3A_36 = arith.constant 0 : i32
          %dma_wait3A_37 = tpu.memref_slice %arg4[%add3A_25, %dma_wait3A_36] : memref<2528x128xi32, #tpu.memory_space<hbm>> -> memref<1x128xi32, #tpu.memory_space<hbm>>
          %dma_wait3A_38 = tpu.memref_squeeze %dma_wait3A_37 : memref<1x128xi32, #tpu.memory_space<hbm>> -> memref<128xi32, #tpu.memory_space<hbm>>
          %dma_wait3A_39 = arith.constant 0 : i32
          %dma_wait3A_40 = tpu.memref_slice %arg4[%add3A_25, %dma_wait3A_39] : memref<2528x128xi32, #tpu.memory_space<hbm>> -> memref<1x128xi32, #tpu.memory_space<hbm>>
          %dma_wait3A_41 = tpu.memref_squeeze %dma_wait3A_40 : memref<1x128xi32, #tpu.memory_space<hbm>> -> memref<128xi32, #tpu.memory_space<hbm>>
          tpu.wait_dma2 semaphore(%run_scoped3A : memref<!tpu.dma_semaphore, #tpu.memory_space<semaphore_mem>>) src(%dma_wait3A_41 : memref<128xi32, #tpu.memory_space<hbm>>) dst(%arg8 : memref<128xi32, #tpu.memory_space<vmem>>)
          tpu.yield
        }) : () -> ()
        %dma_start3A = arith.constant 0 : i32
        %dma_start3A_26 = arith.constant 0 : i32
        %dma_start3A_27 = tpu.memref_slice %arg2[%dma_start3A, %dma_start3A_26] : memref<10240x128xf32, #tpu.memory_space<hbm>> -> memref<10240x128xf32, #tpu.memory_space<hbm>>
        tpu.enqueue_indirect_dma source(%dma_start3A_27 : memref<10240x128xf32, #tpu.memory_space<hbm>>) target(%arg9 : memref<128x128xf32, #tpu.memory_space<vmem>>) offsets(%arg7 : memref<128xi32, #tpu.memory_space<vmem>>) semaphore(%arg11 : memref<!tpu.dma_semaphore, #tpu.memory_space<semaphore_mem>>)
        %dma_wait3A = arith.constant 0 : i32
        %dma_wait3A_28 = arith.constant 0 : i32
        %dma_wait3A_29 = tpu.memref_slice %arg2[%dma_wait3A, %dma_wait3A_28] : memref<10240x128xf32, #tpu.memory_space<hbm>> -> memref<10240x128xf32, #tpu.memory_space<hbm>>
        tpu.wait_indirect_dma semaphore(%arg11 : memref<!tpu.dma_semaphore, #tpu.memory_space<semaphore_mem>>) src(%dma_wait3A_29 : memref<10240x128xf32, #tpu.memory_space<hbm>>) dst(%arg9 : memref<128x128xf32, #tpu.memory_space<vmem>>)
        "tpu.region"() ({
          %run_scoped3A = tpu.sem_alloc : memref<!tpu.dma_semaphore, #tpu.memory_space<semaphore_mem>>
          %dma_start3A_30 = arith.constant 0 : i32
          %dma_start3A_31 = arith.constant 0 : i32
          %dma_start3A_32 = tpu.memref_slice %arg10[%dma_start3A_30, %dma_start3A_31] : memref<10240x128xf32, #tpu.memory_space<vmem_shared>> -> memref<10240x128xf32, #tpu.memory_space<vmem_shared>>
          tpu.enqueue_indirect_dma source(%arg9 : memref<128x128xf32, #tpu.memory_space<vmem>>) target(%dma_start3A_32 : memref<10240x128xf32, #tpu.memory_space<vmem_shared>>) offsets(%arg8 : memref<128xi32, #tpu.memory_space<vmem>>) semaphore(%run_scoped3A : memref<!tpu.dma_semaphore, #tpu.memory_space<semaphore_mem>>) {add = true}
          %dma_wait3A_33 = arith.constant 0 : i32
          %dma_wait3A_34 = arith.constant 0 : i32
          %dma_wait3A_35 = tpu.memref_slice %arg10[%dma_wait3A_33, %dma_wait3A_34] : memref<10240x128xf32, #tpu.memory_space<vmem_shared>> -> memref<10240x128xf32, #tpu.memory_space<vmem_shared>>
          tpu.wait_indirect_dma semaphore(%run_scoped3A : memref<!tpu.dma_semaphore, #tpu.memory_space<semaphore_mem>>) src(%arg9 : memref<128x128xf32, #tpu.memory_space<vmem>>) dst(%dma_wait3A_35 : memref<10240x128xf32, #tpu.memory_space<vmem_shared>>)
          tpu.yield
        }) : () -> ()
      }
      %scan3A_19 = arith.constant 30 : i32
    } else {
    }
    %barrier3A_14 = arith.constant 0 : index
    tpu.barrier barrier_id(%barrier3A_14)
    "tpu.region"() ({
      %run_scoped3A = tpu.sem_alloc : memref<!tpu.dma_semaphore, #tpu.memory_space<semaphore_mem>>
      %dma_start3A = arith.constant 0 : i32
      %dma_start3A_15 = arith.constant 0 : i32
      %dma_start3A_16 = tpu.memref_slice %arg6[%arg0, %dma_start3A, %dma_start3A_15] : memref<2x10240x128xf32, #tpu.memory_space<hbm>> -> memref<1x10240x128xf32, #tpu.memory_space<hbm>>
      %dma_start3A_17 = tpu.memref_squeeze %dma_start3A_16 : memref<1x10240x128xf32, #tpu.memory_space<hbm>> -> memref<10240x128xf32, #tpu.memory_space<hbm>>
      %dma_start3A_18 = arith.constant 0 : i32
      %dma_start3A_19 = tpu.memref_slice %dma_start3A_17[%mul3A_0, %dma_start3A_18] : memref<10240x128xf32, #tpu.memory_space<hbm>> -> memref<640x128xf32, #tpu.memory_space<hbm>>
      %dma_start3A_20 = arith.constant 0 : i32
      %dma_start3A_21 = tpu.memref_slice %arg10[%mul3A_0, %dma_start3A_20] : memref<10240x128xf32, #tpu.memory_space<vmem_shared>> -> memref<640x128xf32, #tpu.memory_space<vmem_shared>>
      tpu.enqueue_dma source(%dma_start3A_21 : memref<640x128xf32, #tpu.memory_space<vmem_shared>>) target(%dma_start3A_19 : memref<640x128xf32, #tpu.memory_space<hbm>>) target_semaphore(%run_scoped3A : memref<!tpu.dma_semaphore, #tpu.memory_space<semaphore_mem>>)
      %dma_wait3A = arith.constant 0 : i32
      %dma_wait3A_22 = arith.constant 0 : i32
      %dma_wait3A_23 = tpu.memref_slice %arg6[%arg0, %dma_wait3A, %dma_wait3A_22] : memref<2x10240x128xf32, #tpu.memory_space<hbm>> -> memref<1x10240x128xf32, #tpu.memory_space<hbm>>
      %dma_wait3A_24 = tpu.memref_squeeze %dma_wait3A_23 : memref<1x10240x128xf32, #tpu.memory_space<hbm>> -> memref<10240x128xf32, #tpu.memory_space<hbm>>
      %dma_wait3A_25 = arith.constant 0 : i32
      %dma_wait3A_26 = tpu.memref_slice %dma_wait3A_24[%mul3A_0, %dma_wait3A_25] : memref<10240x128xf32, #tpu.memory_space<hbm>> -> memref<640x128xf32, #tpu.memory_space<hbm>>
      %dma_wait3A_27 = arith.constant 0 : i32
      %dma_wait3A_28 = tpu.memref_slice %arg10[%mul3A_0, %dma_wait3A_27] : memref<10240x128xf32, #tpu.memory_space<vmem_shared>> -> memref<640x128xf32, #tpu.memory_space<vmem_shared>>
      tpu.wait_dma2 semaphore(%run_scoped3A : memref<!tpu.dma_semaphore, #tpu.memory_space<semaphore_mem>>) src(%dma_wait3A_28 : memref<640x128xf32, #tpu.memory_space<vmem_shared>>) dst(%dma_wait3A_26 : memref<640x128xf32, #tpu.memory_space<hbm>>)
      tpu.yield
    }) : () -> ()
    return
  }
}

module attributes {stable_mosaic.version = 14 : i64} {
  func.func @body(%arg0: i32, %arg1: memref<1024x128xf32, #tpu.memory_space<vmem>>, %arg2: memref<128x128xf32, #tpu.memory_space<vmem>>, %arg3: memref<128x128xf32, #tpu.memory_space<vmem>>, %arg4: memref<1x128xf32, #tpu.memory_space<vmem>>, %arg5: memref<1024x128xf32, #tpu.memory_space<vmem>>, %arg6: memref<1024x128xf32, #tpu.memory_space<vmem>>) attributes {dimension_semantics = [#tpu.dimension_semantics<arbitrary>], iteration_bounds = array<i64: 10>, scalar_prefetch = 0 : i64, scratch_operands = 0 : i64, tpu.core_type = #tpu.core_type<tc>, window_params = [{transform_indices = @transform_0, window_bounds = array<i64: 1024, 128>}, {pipeline_mode = #tpu.pipeline_mode<synchronous>, transform_indices = @transform_1, window_bounds = array<i64: 128, 128>}, {pipeline_mode = #tpu.pipeline_mode<synchronous>, transform_indices = @transform_2, window_bounds = array<i64: 128, 128>}, {pipeline_mode = #tpu.pipeline_mode<synchronous>, transform_indices = @transform_3, window_bounds = array<i64: 1, 128>}, {transform_indices = @transform_4, window_bounds = array<i64: 1024, 128>}, {transform_indices = @transform_5, window_bounds = array<i64: 1024, 128>}]} {
    %get3A = arith.constant 0 : index
    %get3A_0 = arith.constant 0 : index
    %get3A_1 = vector.load %arg1[%get3A, %get3A_0] : memref<1024x128xf32, #tpu.memory_space<vmem>>, vector<1024x128xf32>
    %get3A_2 = arith.constant 0 : index
    %get3A_3 = arith.constant 0 : index
    %get3A_4 = vector.load %arg2[%get3A_2, %get3A_3] : memref<128x128xf32, #tpu.memory_space<vmem>>, vector<128x128xf32>
    %dot_general3A = arith.constant dense<0.000000e+00> : vector<1024x128xf32>
    %dot_general3A_5 = tpu.matmul %get3A_1, %get3A_4, %dot_general3A {dimension_numbers = #tpu.dot_dimension_numbers<[1], [1], [0], [0], [0, 0, 1, 0], [], []>, transpose_lhs_hint = false} : vector<1024x128xf32>, vector<128x128xf32>, vector<1024x128xf32> -> vector<1024x128xf32>
    %swap3A = arith.constant 0 : index
    %swap3A_6 = arith.constant 0 : index
    %swap3A_7 = vector.load %arg5[%swap3A, %swap3A_6] : memref<1024x128xf32, #tpu.memory_space<vmem>>, vector<1024x128xf32>
    tpu.vector_store %arg5[%swap3A, %swap3A_6], %dot_general3A_5 {strides = array<i32>} : memref<1024x128xf32, #tpu.memory_space<vmem>>, vector<1024x128xf32>,
    %get3A_8 = arith.constant 0 : index
    %get3A_9 = arith.constant 0 : index
    %get3A_10 = vector.load %arg3[%get3A_8, %get3A_9] : memref<128x128xf32, #tpu.memory_space<vmem>>, vector<128x128xf32>
    %dot_general3A_11 = arith.constant dense<0.000000e+00> : vector<1024x128xf32>
    %dot_general3A_12 = tpu.matmul %get3A_1, %get3A_10, %dot_general3A_11 {dimension_numbers = #tpu.dot_dimension_numbers<[1], [1], [0], [0], [0, 0, 1, 0], [], []>, transpose_lhs_hint = false} : vector<1024x128xf32>, vector<128x128xf32>, vector<1024x128xf32> -> vector<1024x128xf32>
    %get3A_13 = arith.constant 0 : index
    %get3A_14 = arith.constant 0 : index
    %get3A_15 = vector.load %arg4[%get3A_13, %get3A_14] : memref<1x128xf32, #tpu.memory_space<vmem>>, vector<1x128xf32>
    %add3A = vector.broadcast %get3A_15 : vector<1x128xf32> to vector<1024x128xf32>
    %add3A_16 = arith.addf %dot_general3A_12, %add3A : vector<1024x128xf32>
    %swap3A_17 = arith.constant 0 : index
    %swap3A_18 = arith.constant 0 : index
    %swap3A_19 = vector.load %arg6[%swap3A_17, %swap3A_18] : memref<1024x128xf32, #tpu.memory_space<vmem>>, vector<1024x128xf32>
    tpu.vector_store %arg6[%swap3A_17, %swap3A_18], %add3A_16 {strides = array<i32>} : memref<1024x128xf32, #tpu.memory_space<vmem>>, vector<1024x128xf32>,
    return
  }
  func.func @transform_0(%arg0: i32) -> (i32, i32) {
    %c0_i32 = arith.constant 0 : i32
    %c0_i32_0 = arith.constant 0 : i32
    return %arg0, %c0_i32 : i32, i32
  }
  func.func @transform_1(%arg0: i32) -> (i32, i32) {
    %c0_i32 = arith.constant 0 : i32
    %c0_i32_0 = arith.constant 0 : i32
    %c0_i32_1 = arith.constant 0 : i32
    return %c0_i32, %c0_i32_0 : i32, i32
  }
  func.func @transform_2(%arg0: i32) -> (i32, i32) {
    %c0_i32 = arith.constant 0 : i32
    %c0_i32_0 = arith.constant 0 : i32
    %c0_i32_1 = arith.constant 0 : i32
    return %c0_i32, %c0_i32_0 : i32, i32
  }
  func.func @transform_3(%arg0: i32) -> (i32, i32) {
    %c0_i32 = arith.constant 0 : i32
    %c0_i32_0 = arith.constant 0 : i32
    %c0_i32_1 = arith.constant 0 : i32
    return %c0_i32, %c0_i32_0 : i32, i32
  }
  func.func @transform_4(%arg0: i32) -> (i32, i32) {
    %c0_i32 = arith.constant 0 : i32
    %c0_i32_0 = arith.constant 0 : i32
    return %arg0, %c0_i32 : i32, i32
  }
  func.func @transform_5(%arg0: i32) -> (i32, i32) {
    %c0_i32 = arith.constant 0 : i32
    %c0_i32_0 = arith.constant 0 : i32
    return %arg0, %c0_i32 : i32, i32
  }
}

module attributes {stable_mosaic.version = 14 : i64} {
  func.func @body(%arg0: i32, %arg1: memref<2x1024x128xf32, #tpu.memory_space<vmem>>, %arg2: memref<1024x128xf32, #tpu.memory_space<vmem>>, %arg3: memref<128x128xf32, #tpu.memory_space<vmem>>, %arg4: memref<128x128xf32, #tpu.memory_space<vmem>>, %arg5: memref<1x128xf32, #tpu.memory_space<vmem>>, %arg6: memref<1024x128xf32, #tpu.memory_space<vmem>>, %arg7: memref<1024x128xf32, #tpu.memory_space<vmem>>) attributes {dimension_semantics = [#tpu.dimension_semantics<arbitrary>], iteration_bounds = array<i64: 10>, scalar_prefetch = 0 : i64, scratch_operands = 0 : i64, tpu.core_type = #tpu.core_type<tc>, window_params = [{transform_indices = @transform_0, window_bounds = array<i64: 2, 1024, 128>}, {transform_indices = @transform_1, window_bounds = array<i64: 1024, 128>}, {pipeline_mode = #tpu.pipeline_mode<synchronous>, transform_indices = @transform_2, window_bounds = array<i64: 128, 128>}, {pipeline_mode = #tpu.pipeline_mode<synchronous>, transform_indices = @transform_3, window_bounds = array<i64: 128, 128>}, {pipeline_mode = #tpu.pipeline_mode<synchronous>, transform_indices = @transform_4, window_bounds = array<i64: 1, 128>}, {transform_indices = @transform_5, window_bounds = array<i64: 1024, 128>}, {transform_indices = @transform_6, window_bounds = array<i64: 1024, 128>}]} {
    %get3A = arith.constant 0 : index
    %get3A_0 = arith.constant 0 : index
    %get3A_1 = arith.constant 0 : index
    %get3A_2 = vector.load %arg1[%get3A, %get3A_0, %get3A_1] : memref<2x1024x128xf32, #tpu.memory_space<vmem>>, vector<1x1024x128xf32>
    %get3A_3 = vector.shape_cast %get3A_2 : vector<1x1024x128xf32> to vector<1024x128xf32>
    %get3A_4 = arith.constant 1 : index
    %get3A_5 = arith.constant 0 : index
    %get3A_6 = arith.constant 0 : index
    %get3A_7 = vector.load %arg1[%get3A_4, %get3A_5, %get3A_6] : memref<2x1024x128xf32, #tpu.memory_space<vmem>>, vector<1x1024x128xf32>
    %get3A_8 = vector.shape_cast %get3A_7 : vector<1x1024x128xf32> to vector<1024x128xf32>
    %add3A = arith.addf %get3A_3, %get3A_8 : vector<1024x128xf32>
    %get3A_9 = arith.constant 0 : index
    %get3A_10 = arith.constant 0 : index
    %get3A_11 = vector.load %arg2[%get3A_9, %get3A_10] : memref<1024x128xf32, #tpu.memory_space<vmem>>, vector<1024x128xf32>
    %add3A_12 = arith.addf %add3A, %get3A_11 : vector<1024x128xf32>
    %max3A = arith.constant 0.000000e+00 : f32
    %max3A_13 = vector.broadcast %max3A : f32 to vector<1024x128xf32>
    %max3A_14 = arith.maximumf %add3A_12, %max3A_13 : vector<1024x128xf32>
    %get3A_15 = arith.constant 0 : index
    %get3A_16 = arith.constant 0 : index
    %get3A_17 = vector.load %arg3[%get3A_15, %get3A_16] : memref<128x128xf32, #tpu.memory_space<vmem>>, vector<128x128xf32>
    %dot_general3A = arith.constant dense<0.000000e+00> : vector<1024x128xf32>
    %dot_general3A_18 = tpu.matmul %max3A_14, %get3A_17, %dot_general3A {dimension_numbers = #tpu.dot_dimension_numbers<[1], [1], [0], [0], [0, 0, 1, 0], [], []>, transpose_lhs_hint = false} : vector<1024x128xf32>, vector<128x128xf32>, vector<1024x128xf32> -> vector<1024x128xf32>
    %swap3A = arith.constant 0 : index
    %swap3A_19 = arith.constant 0 : index
    %swap3A_20 = vector.load %arg6[%swap3A, %swap3A_19] : memref<1024x128xf32, #tpu.memory_space<vmem>>, vector<1024x128xf32>
    tpu.vector_store %arg6[%swap3A, %swap3A_19], %dot_general3A_18 {strides = array<i32>} : memref<1024x128xf32, #tpu.memory_space<vmem>>, vector<1024x128xf32>,
    %get3A_21 = arith.constant 0 : index
    %get3A_22 = arith.constant 0 : index
    %get3A_23 = vector.load %arg4[%get3A_21, %get3A_22] : memref<128x128xf32, #tpu.memory_space<vmem>>, vector<128x128xf32>
    %dot_general3A_24 = arith.constant dense<0.000000e+00> : vector<1024x128xf32>
    %dot_general3A_25 = tpu.matmul %max3A_14, %get3A_23, %dot_general3A_24 {dimension_numbers = #tpu.dot_dimension_numbers<[1], [1], [0], [0], [0, 0, 1, 0], [], []>, transpose_lhs_hint = false} : vector<1024x128xf32>, vector<128x128xf32>, vector<1024x128xf32> -> vector<1024x128xf32>
    %get3A_26 = arith.constant 0 : index
    %get3A_27 = arith.constant 0 : index
    %get3A_28 = vector.load %arg5[%get3A_26, %get3A_27] : memref<1x128xf32, #tpu.memory_space<vmem>>, vector<1x128xf32>
    %add3A_29 = vector.broadcast %get3A_28 : vector<1x128xf32> to vector<1024x128xf32>
    %add3A_30 = arith.addf %dot_general3A_25, %add3A_29 : vector<1024x128xf32>
    %swap3A_31 = arith.constant 0 : index
    %swap3A_32 = arith.constant 0 : index
    %swap3A_33 = vector.load %arg7[%swap3A_31, %swap3A_32] : memref<1024x128xf32, #tpu.memory_space<vmem>>, vector<1024x128xf32>
    tpu.vector_store %arg7[%swap3A_31, %swap3A_32], %add3A_30 {strides = array<i32>} : memref<1024x128xf32, #tpu.memory_space<vmem>>, vector<1024x128xf32>,
    return
  }
  func.func @transform_0(%arg0: i32) -> (i32, i32, i32) {
    %c0_i32 = arith.constant 0 : i32
    %c0_i32_0 = arith.constant 0 : i32
    %c0_i32_1 = arith.constant 0 : i32
    return %c0_i32, %arg0, %c0_i32_0 : i32, i32, i32
  }
  func.func @transform_1(%arg0: i32) -> (i32, i32) {
    %c0_i32 = arith.constant 0 : i32
    %c0_i32_0 = arith.constant 0 : i32
    return %arg0, %c0_i32 : i32, i32
  }
  func.func @transform_2(%arg0: i32) -> (i32, i32) {
    %c0_i32 = arith.constant 0 : i32
    %c0_i32_0 = arith.constant 0 : i32
    %c0_i32_1 = arith.constant 0 : i32
    return %c0_i32, %c0_i32_0 : i32, i32
  }
  func.func @transform_3(%arg0: i32) -> (i32, i32) {
    %c0_i32 = arith.constant 0 : i32
    %c0_i32_0 = arith.constant 0 : i32
    %c0_i32_1 = arith.constant 0 : i32
    return %c0_i32, %c0_i32_0 : i32, i32
  }
  func.func @transform_4(%arg0: i32) -> (i32, i32) {
    %c0_i32 = arith.constant 0 : i32
    %c0_i32_0 = arith.constant 0 : i32
    %c0_i32_1 = arith.constant 0 : i32
    return %c0_i32, %c0_i32_0 : i32, i32
  }
  func.func @transform_5(%arg0: i32) -> (i32, i32) {
    %c0_i32 = arith.constant 0 : i32
    %c0_i32_0 = arith.constant 0 : i32
    return %arg0, %c0_i32 : i32, i32
  }
  func.func @transform_6(%arg0: i32) -> (i32, i32) {
    %c0_i32 = arith.constant 0 : i32
    %c0_i32_0 = arith.constant 0 : i32
    return %arg0, %c0_i32 : i32, i32
  }
}

module attributes {stable_mosaic.version = 14 : i64} {
  func.func @body(%arg0: i32, %arg1: memref<2x1024x128xf32, #tpu.memory_space<vmem>>, %arg2: memref<1024x128xf32, #tpu.memory_space<vmem>>, %arg3: memref<1024x128xf32, #tpu.memory_space<vmem>>) attributes {dimension_semantics = [#tpu.dimension_semantics<arbitrary>], iteration_bounds = array<i64: 10>, scalar_prefetch = 0 : i64, scratch_operands = 0 : i64, tpu.core_type = #tpu.core_type<tc>, window_params = [{transform_indices = @transform_0, window_bounds = array<i64: 2, 1024, 128>}, {transform_indices = @transform_1, window_bounds = array<i64: 1024, 128>}, {transform_indices = @transform_2, window_bounds = array<i64: 1024, 128>}]} {
    %get3A = arith.constant 0 : index
    %get3A_0 = arith.constant 0 : index
    %get3A_1 = arith.constant 0 : index
    %get3A_2 = vector.load %arg1[%get3A, %get3A_0, %get3A_1] : memref<2x1024x128xf32, #tpu.memory_space<vmem>>, vector<1x1024x128xf32>
    %get3A_3 = vector.shape_cast %get3A_2 : vector<1x1024x128xf32> to vector<1024x128xf32>
    %get3A_4 = arith.constant 1 : index
    %get3A_5 = arith.constant 0 : index
    %get3A_6 = arith.constant 0 : index
    %get3A_7 = vector.load %arg1[%get3A_4, %get3A_5, %get3A_6] : memref<2x1024x128xf32, #tpu.memory_space<vmem>>, vector<1x1024x128xf32>
    %get3A_8 = vector.shape_cast %get3A_7 : vector<1x1024x128xf32> to vector<1024x128xf32>
    %add3A = arith.addf %get3A_3, %get3A_8 : vector<1024x128xf32>
    %get3A_9 = arith.constant 0 : index
    %get3A_10 = arith.constant 0 : index
    %get3A_11 = vector.load %arg2[%get3A_9, %get3A_10] : memref<1024x128xf32, #tpu.memory_space<vmem>>, vector<1024x128xf32>
    %add3A_12 = arith.addf %add3A, %get3A_11 : vector<1024x128xf32>
    %max3A = arith.constant 0.000000e+00 : f32
    %max3A_13 = vector.broadcast %max3A : f32 to vector<1024x128xf32>
    %max3A_14 = arith.maximumf %add3A_12, %max3A_13 : vector<1024x128xf32>
    %swap3A = arith.constant 0 : index
    %swap3A_15 = arith.constant 0 : index
    %swap3A_16 = vector.load %arg3[%swap3A, %swap3A_15] : memref<1024x128xf32, #tpu.memory_space<vmem>>, vector<1024x128xf32>
    tpu.vector_store %arg3[%swap3A, %swap3A_15], %max3A_14 {strides = array<i32>} : memref<1024x128xf32, #tpu.memory_space<vmem>>, vector<1024x128xf32>,
    return
  }
  func.func @transform_0(%arg0: i32) -> (i32, i32, i32) {
    %c0_i32 = arith.constant 0 : i32
    %c0_i32_0 = arith.constant 0 : i32
    %c0_i32_1 = arith.constant 0 : i32
    return %c0_i32, %arg0, %c0_i32_0 : i32, i32, i32
  }
  func.func @transform_1(%arg0: i32) -> (i32, i32) {
    %c0_i32 = arith.constant 0 : i32
    %c0_i32_0 = arith.constant 0 : i32
    return %arg0, %c0_i32 : i32, i32
  }
  func.func @transform_2(%arg0: i32) -> (i32, i32) {
    %c0_i32 = arith.constant 0 : i32
    %c0_i32_0 = arith.constant 0 : i32
    return %arg0, %c0_i32 : i32, i32
  }
}

</mosaic_0001>

<sc_bundles>
// kernel: kernel.10.cloned.1.call-start
scs
__scs_entry_jumppad:
0x0: {  	(pc) =	sbr.rel $0x88, $3  }
0x1: {  	(tag) =	ssettag $0x0;
	lr =	simm.s32 $0x1  }
0x2: {  	[smem:$0x3F99] =	sst lr;
	_ =	strace $0xD0000000  }
0x3: {  	_ = 	snop  }
0x4: {  	_ = 	snop  }
0x5: {  	_ = 	snop  }
0x6: {  	_ = 	snop  }
0x7: {  	_ = 	snop  }
__scs_overlays_trampoline_lowered:
0x8: {  	[smem:$0x3FA8] =	sst s0  }
0x9: {  	[smem:$0x3FA9] =	sst s1  }
0xa: {  	[smem:$0x3FAA] =	sst s2  }
0xb: {  	[smem:$0x3FAB] =	sst s3  }
0xc: {  	[smem:$0x3FAC] =	sst s4  }
0xd: {  	[smem:$0x3FAD] =	sst s5  }
0xe: {  	[smem:$0x3FAE] =	sst s6  }
0xf: {  	[smem:$0x3FAF] =	sst s7  }
0x10: {  	[smem:$0x3FB0] =	sst s8  }
0x11: {  	[smem:$0x3FB1] =	sst s9;
	s0 =	simm.s32 @!p0 $0x0  }
0x12: {  	s1 =	sld [smem:$0x3F97];
	s0 =	simm.s32 @p0 $0x1  }
0x13: {  	[smem:$0x3FB2] =	sst s0;
	s0 =	simm.s32 @!p1 $0x0  }
0x14: {  	s2 =	sld [smem:$0x3F96];
	s0 =	simm.s32 @p1 $0x1  }
0x15: {  	[smem:$0x3FB3] =	sst s0;
	s0 =	simm.s32 @!p2 $0x0  }
0x16: {  	s3 =	sld [smem:$0x3FDB];
	s0 =	simm.s32 @p2 $0x1  }
0x17: {  	s4 =	simm.s32 $0x1BF5;
	[smem:$0x3FB5] =	sst s0  }
0x18: {  	s0 =	sld [smem:$0x3F98];
	_ =	swait.ge [sflag:s4], $0x0  }
0x19: {  	s7 =	sld [smem:$0x3F99]  }
0x1a: {  	s8 =	sadd.s32 $0xFFFFE003, lr  }
0x1b: {  	s9 =	sadd.s32 $0xFFFFFEF7, lr;
	s5 =	simm.s32 $0xFFFFFFFF;
	p2 =	slt.u32 s8, $0xFFFFF086  }
0x1c: {  	p1 =	slt.u32 s9, $0xF7A;
	s5 =	simm.s32 @!p2 $0x0  }
0x1d: {  	s5 =	simm.s32 @p1 $0x1;
	p0 =	seq.s32 s7, s2  }
0x1e: {  	s7 =	smul.u32 @!p0 $0xF7A, s2;
	p2 =	seq.s32 @!p0 s5, $0x0  }
0x1f: {  	s9 =	smul.u32 $0xF7A, s1;
	s8 =	simm.s32 @!p0 $0x1BF5;
	p2 =	por !p2, p0  }
0x20: {  	[sflag:s8] =	ssyncset.s32 @!p0 $0xFFFFF086;
	s6 =	sadd.s32 @!p0 s3, s7;
	s7 =	simm.s32 @!p0 $0x108  }
0x21: {  	s3 =	sadd.s32 s3, s9;
	s6 =	sadd.s32 @!p0 $0x88, s6;
	s7 =	simm.s32 @p2 $0x1082  }
0x22: {  	[simem:s7], [sflag:s8] =	dma.local @!p0 [hbm:s6], $0xF7A  }
0x23: {  	s9 =	sor.u32 $0xD0000000, s2;
	s6 =	simm.s32 $0x108;
	_ =	swait.ge @!p0 [sflag:s8], $0x0  }
0x24: {  	s3 =	sadd.s32 $0x88, s3;
	s6 =	simm.s32 @!p1 $0x1082;
	[sflag:s4] =	ssyncset.s32 $0xFFFFF086  }
0x25: {  	[simem:s6], [sflag:s4] =	dma.local [hbm:s3], $0xF7A  }
0x26: {  	[smem:$0x3F99] =	sst s1;
	(tag) =	ssettag s2;
	_ =	strace s9  }
0x27: {  	s1 =	sld [smem:$0x3FA9]  }
0x28: {  	s2 =	sld [smem:$0x3FAA]  }
0x29: {  	s4 =	sld [smem:$0x3FAC]  }
0x2a: {  	p0 =	seq.s32 s5, $0x0;
	s5 =	sld [smem:$0x3FAD]  }
0x2b: {  	s6 =	sld [smem:$0x3FAE]  }
0x2c: {  	s7 =	sld [smem:$0x3FAF]  }
0x2d: {  	s3 =	simm.s32 $0x108;
	s8 =	sld [smem:$0x3FB0]  }
0x2e: {  	s3 =	simm.s32 @!p0 $0x1082;
	s9 =	sld [smem:$0x3FB1]  }
0x2f: {  	lr =	sadd.s32 s0, s3;
	s0 =	sld [smem:$0x3FA8]  }
0x30: {  	s3 =	sld [smem:$0x3FAB]  }
0x31: {  	[smem:$0x3FB4] =	sst s10  }
0x32: {  	s10 =	sld [smem:$0x3FB2];
	_ =	sdelay $0x3  }
0x33: {  	p0 =	seq.s32 s10, $0x1;
	s10 =	sld [smem:$0x3FB4];
	_ =	sdelay $0x3  }
0x34: {  	[smem:$0x3FB4] =	sst s10  }
0x35: {  	s10 =	sld [smem:$0x3FB3];
	_ =	sdelay $0x3  }
0x36: {  	p1 =	seq.s32 s10, $0x1;
	s10 =	sld [smem:$0x3FB4];
	_ =	sdelay $0x3  }
0x37: {  	[smem:$0x3FB4] =	sst s10  }
0x38: {  	s10 =	sld [smem:$0x3FB5]  }
0x39: {  	_ = 	snop;
	(pc) =	sbr.ind lr, $3  }
0x3a: {  	_ = 	snop  }
0x3b: {  	_ = 	snop  }
0x3c: {  	p2 =	seq.s32 s10, $0x1;
	s10 =	sld [smem:$0x3FB4]  }
0x3d: {  	_ =	shalt  }
0x3e: {  	_ =	shalt  }
0x3f: {  	_ =	shalt  }
0x40: {  	_ =	shalt  }
0x41: {  	_ =	shalt  }
0x42: {  	_ =	shalt  }
0x43: {  	_ =	shalt  }
0x44: {  	_ =	shalt  }
0x45: {  	_ =	shalt  }
0x46: {  	_ =	shalt  }
0x47: {  	_ =	shalt  }
0x48: {  	_ =	shalt  }
0x49: {  	_ =	shalt  }
0x4a: {  	_ =	shalt  }
0x4b: {  	_ =	shalt  }
0x4c: {  	_ =	shalt  }
0x4d: {  	_ =	shalt  }
0x4e: {  	_ =	shalt  }
0x4f: {  	_ =	shalt  }
0x50: {  	_ =	shalt  }
0x51: {  	_ =	shalt  }
0x52: {  	_ =	shalt  }
0x53: {  	_ =	shalt  }
0x54: {  	_ =	shalt  }
0x55: {  	_ =	shalt  }
0x56: {  	_ =	shalt  }
0x57: {  	_ =	shalt  }
0x58: {  	_ =	shalt  }
0x59: {  	_ =	shalt  }
0x5a: {  	_ =	shalt  }
0x5b: {  	_ =	shalt  }
0x5c: {  	_ =	shalt  }
0x5d: {  	_ =	shalt  }
0x5e: {  	_ =	shalt  }
0x5f: {  	_ =	shalt  }
0x60: {  	_ =	shalt  }
0x61: {  	_ =	shalt  }
0x62: {  	_ =	shalt  }
0x63: {  	_ =	shalt  }
0x64: {  	_ =	shalt  }
0x65: {  	_ =	shalt  }
0x66: {  	_ =	shalt  }
0x67: {  	_ =	shalt  }
0x68: {  	_ =	shalt  }
0x69: {  	_ =	shalt  }
0x6a: {  	_ =	shalt  }
0x6b: {  	_ =	shalt  }
0x6c: {  	_ =	shalt  }
0x6d: {  	_ =	shalt  }
0x6e: {  	_ =	shalt  }
0x6f: {  	_ =	shalt  }
0x70: {  	_ =	shalt  }
0x71: {  	_ =	shalt  }
0x72: {  	_ =	shalt  }
0x73: {  	_ =	shalt  }
0x74: {  	_ =	shalt  }
0x75: {  	_ =	shalt  }
0x76: {  	_ =	shalt  }
0x77: {  	_ =	shalt  }
0x78: {  	_ =	shalt  }
0x79: {  	_ =	shalt  }
0x7a: {  	_ =	shalt  }
0x7b: {  	_ =	shalt  }
0x7c: {  	_ =	shalt  }
0x7d: {  	_ =	shalt  }
0x7e: {  	_ =	shalt  }
0x7f: {  	_ =	shalt  }
0x80: {  	_ =	shalt  }
0x81: {  	_ =	shalt  }
0x82: {  	_ =	shalt  }
0x83: {  	_ =	shalt  }
0x84: {  	_ =	shalt  }
0x85: {  	_ =	shalt  }
0x86: {  	_ =	shalt  }
0x87: {  	_ =	shalt  }
.Lfunc_end0:
.L_simem_size_0:
called_computation.1_lowered:
.L_overlay_start_0:
0x88: {  	s2 =	sld [smem:$0x3FD9]  }
0x89: {  	s3 =	sld [smem:$0x3FFE];
	_ =	sdelay $0x1  }
0x8a: {  	s1 =	srdreg.scid  }
0x8b: {  	s0 =	sand.u32 $0x1, s1  }
0x8c: {  	s17 =	sshll.u32 s0, $0xA;
	s2 =	sadd.s32 s3, s2  }
0x8d: {  	s2 =	sadd.s32 s2, s17  }
0x8e: {  	[smem:$0x3FC0] =	sst s2  }
0x8f: {  	_ = 	snop  }
0x90: {  	s2 =	sld [smem:$0x3FD0];
	(tm) =	ssettm $0x1  }
0x91: {  	s18 =	sld [smem:$0x3FFB];
	_ =	sdelay $0x3  }
0x92: {  	_ =	strace s18  }
0x93: {  	s3 =	sld [smem:$0x3FFC];
	_ =	sdelay $0x3  }
0x94: {  	_ =	strace s3  }
0x95: {  	s3 =	sld [smem:$0x3FFD];
	_ =	sdelay $0x3  }
0x96: {  	_ =	strace s3  }
0x97: {  	_ =	strace $0x8FFFFFFF  }
0x98: {  	s19 =	sld [smem:$0x3FDB];
	_ =	sdelay $0x1  }
0x99: {  	s4 =	simm.s32 $_scs_section_size  }
0x9a: {  	s5 =	simm.s32 $_size__tile_overlayer_lowered;
	s6 =	simm.s32 $_tile_overlayer_lowered  }
0x9b: {  	s22 =	simm.s32 $0x1BFF;
	s21 =	sshll.u32 s6, $0x1;
	s3 =	sadd.s32 s4, s19  }
0x9c: {  	s7 =	simm.s32 $0x0;
	s20 =	sshll.u32 s5, $0x1;
	s5 =	sadd.s32 s21, s3  }
0x9d: {  	[timem:s7], [sflag:s22] =	dma.local [hbm:s5], s20  }
0x9e: {  	_ =	swait.ge [sflag:s22], s20  }
0x9f: {  	s4 =	ssub.s32 $0x0, s20;
	[sflag:s22] =	ssyncset.done $0x0  }
0xa0: {  	[sflag:s22] =	ssyncadd.s32 s4;
	_ =	sdelay $0x1  }
0xa1: {  	s23 =	simm.s32 $0x1B8B  }
0xa2: {  	_ =	swait.ge [sflag:s23], $0x1  }
0xa3: {  	[sflag:s23] =	ssyncset.done $0x0  }
0xa4: {  	s25 =	simm.s32 $0x1B8E;
	s24 =	sld [smem:$0x3FFE];
	[sflag:s23] =	ssyncadd.s32 $0xFFFFFFFF  }
0xa5: {  	s26 =	simm.s32 $execute0_lowered;
	[smem:$0x3FD2] =	sst s25  }
0xa6: {  	s5 =	sshll.u32 s26, $0x1;
	_ =	strace $0x80000049;
	[dreg:$0x1] =	wrdreg $0xFFFFFFFF  }
0xa7: {  	s28 =	simm.s32 $_size_execute0_lowered;
	s3 =	sadd.s32 s3, s5;
	[dreg:$0x0] =	wrdreg $0x0  }
0xa8: {  	s5 =	sshll.u32 s28, $0x1;
	[dreg:$0x2] =	wrdreg s3  }
0xa9: {  	[dreg:$0x3] =	wrdreg s5  }
0xaa: {  	[dreg:$0x4] =	wrdreg $0xC0  }
0xab: {  	_ =	task [dreg:s7], $0x5FFFF  }
0xac: {  	[dreg:$0x1] =	wrdreg $0xFFFFFFFF  }
0xad: {  	[dreg:$0x0] =	wrdreg $0x60  }
0xae: {  	[dreg:$0x2] =	wrdreg s24  }
0xaf: {  	[dreg:$0x3] =	wrdreg s2  }
0xb0: {  	[dreg:$0x4] =	wrdreg $0x41000  }
0xb1: {  	[dreg:$0x5] =	wrdreg $0x9  }
0xb2: {  	_ =	task.clear_ibuf [dreg:s7], $0x6FFFF;
	_ =	strace $0x90000049  }
0xb3: {  	s29 =	simm.s32 $0x9;
	_ =	strace $0x8000004B  }
0xb4: {  	_ =	swait.ge [sflag:s29], $0x1  }
0xb5: {  	[sflag:s29] =	ssyncadd.s32 $0xFFFFFFFF  }
0xb6: {  	_ =	strace $0x9000004B  }
0xb7: {  	_ =	sfence  }
0xb8: {  	s30 =	sld [smem:$0x0];
	_ =	sdelay $0x2  }
0xb9: {  	s31 =	sshll.u32 s1, $0xD;
	s1 =	sshrl.u32 s1, $0x2  }
0xba: {  	s3 =	sand.u32 $0x4000, s31;
	s1 =	sadd.s32 s1, s30  }
0xbb: {  	s0 =	sor.u32 s3, s0;
	s1 =	sshll.u32 s1, $0x11  }
0xbc: {  	s0 =	sor.u32 s1, s0  }
0xbd: {  	s0 =	sadd.s32 $0x8F2B, s0  }
0xbe: {  	[sflag:s0] =	ssyncadd.remote.s32 $0x1  }
0xbf: {  	_ =	sfence.sel $0xFFFF  }
0xc0: {  	[dreg:$0x0] =	wrdreg $0xFFFFFFFF;
	(pc) =	sbr.abs _section_cstart, $3  }
0xc1: {  	[dreg:$0x1] =	wrdreg $0xFFFFFFFF  }
0xc2: {  	_ =	task.clear_ibuf [dreg:s7], $0x2FFFF;
	_ =	strace $0x9FFFFFFF  }
0xc3: {  	(tm) =	ssettm $0x7FFFFFFF  }
tec
execute0_lowered:
.L_overlay_start_1:
0x0: {  	(tag) =	ssettag $0x1  }
0x1: {  	s6 =	rddreg [dreg:$0x0]  }
0x2: {  	s9 =	rddreg [dreg:$0x1]  }
0x3: {  	s2 =	rddreg [dreg:$0x2]  }
0x4: {  	s0 =	rddreg [dreg:$0x3];
	s3 =	simm.s32 $0x0  }
0x5: {  	s4 =	srdreg.scid;
	s1 =	stileid.u32;
	s15 =	simm.s32 $0x100  }
0x6: {  	s16 =	simm.s32 $0x1;
	s17 =	sand.u32 $0x1, s4;
	s4 =	smul.u32 $0x5E, s1  }
0x7: {  	s7 =	sshll.u32 s1, $0x6;
	[smem:$0x7FF] =	sst s3;
	s11 =	smul.u32 $0x50000, s1  }
0x8: {  	s19 =	smul.u32 $0x2800, s1;
	p0 =	seq.s32 s17, $0x0;
	s5 =	sadd.s32 $0x5E0, s7  }
0x9: {  	_ =	strace $0x8000004A;
	s8 =	smul.u32 $0x28000, s17;
	s13 =	ssub.s32 $0x2, s17  }
0xa: {  	s5 =	smov.u32 @p0 s4;
	s4 =	sadd.s32 $0xB800, s6;
	s31 =	sshrl.u32 s13, $0x1  }
0xb: {  	s11 =	sshrl.u32 s11, $0x2;
	p0 =	sne.s32 s17, $0x0;
	s10 =	sshll.u32 s5, $0x4  }
0xc: {  	s5 =	sadd.s32 $0x33800, s6;
	s8 =	sadd.s32 s8, s6;
	s13 =	ssub.s32 s13, s31  }
.Ltmp0:
0xd: {  	s14 =	sadd.s32 s11, s2;
	s12 =	sadd.s32 s10, s6;
	(pc) =	sbr.rel .LBB2_1-.Ltmp0, $4  }
0xe: {  	s6 =	sor.u32 $0x1C02, s7;
	s18 =	sadd.s32 $0x36000, s8;
	s7 =	smax.u32 s13, $0x1  }
0xf: {  	s9 =	sadd.s32 s10, s9;
	s13 =	simm.s32 $0x2;
	s8 =	sadd.s32 $0x1A00, s12  }
0x10: {  	s10 =	sadd.s32 $0x1E00, s12;
	s11 =	sadd.s32 $0x400, s9;
	s12 =	sshrl.u32 s14, $0x3  }
0x11: {  	s14 =	simm.s32 $0x80;
	s17 =	sadd.s32 s19, s18;
	s18 =	simm.s32 $0x0  }
.LBB2_6:
0x12: {  	s20 =	sadd.s32 s19, s10;
	[sflag:s13] =	ssyncadd.s32 $0xFFFFC000  }
0x13: {  	[tilespmem:s3], [sflag:$0x2] =	stream.linear.gather [hbm4b:s20+s3], $0x80, $0x38;
	[tilespmem:$0x18100] =	vst v63  }
0x14: {  	_ =	swait.ge [sflag:s13], $0x80  }
0x15: {  	[sflag:s13] =	ssyncset.done $0x0  }
0x16: {  	s31 =	sadd.s32 s19, s11;
	[sflag:s13] =	ssyncadd.s32 $0xFFFFFF80  }
0x17: {  	[tilespmem:s14], [sflag:$0x2] =	stream.linear.gather [hbm4b:s31+s3], $0x80, $0x38;
	[tilespmem:$0x18100] =	vst v63  }
0x18: {  	_ =	swait.ge [sflag:s13], $0x80  }
0x19: {  	[sflag:s13] =	ssyncset.done $0x0  }
0x1a: {  	[sflag:s13] =	ssyncadd.s32 $0xFFFFFF80  }
0x1b: {  	[tilespmem:s15], [sflag:$0x1] =	stream.indirect.gather [hbm4b:s4+s14], $0x80, s3, s14, $0xb8;
	[tilespmem:$0x18100] =	vst v63  }
0x1c: {  	_ =	swait.ge [sflag:s16], $0x4000  }
0x1d: {  	[sflag:s16] =	ssyncset.done $0x0  }
0x1e: {  	[sflag:s16] =	ssyncadd.s32 $0xFFFFC000  }
0x1f: {  	[spmem:s2] =	stream.indirect.scatter.add.f32 [tilespmem:s15], [sflag:$0x2], $0x80, s14, s14, $0xb8;
	[tilespmem:$0x18100] =	vst v63  }
0x20: {  	_ =	swait.ge [sflag:s13], $0x4000  }
0x21: {  	[sflag:s13] =	ssyncset.done $0x0  }
0x22: {  	[sflag:s13] =	ssyncadd.s32 $0xFFFFC000  }
.LBB2_7:
0x23: {  	s18 =	sadd.s32 $0x1, s18  }
0x24: {  	p1 =	sne.s32 s18, s7  }
.Ltmp1:
0x25: {  	[bflag:$0x0] =	sbarrier.arrive $0xFFFF;
	(pc) =	sbr.rel @!p1 .LBB2_8-.Ltmp1, $4  }
0x26: {  	[hbm:s17], [sflag:s6] =	dma.local [spmem:s12], $0x2800  }
0x27: {  	_ =	swait.ge [sflag:s13], $0x2800  }
0x28: {  	[sflag:s13] =	ssyncset.done $0x0  }
0x29: {  	[sflag:s13] =	ssyncadd.s32 $0xFFFFD800  }
.LBB2_1:
0x2a: {  	[spmem:s12], [sflag:s6] =	dma.local [hbm:s5], $0x2800  }
0x2b: {  	_ =	swait.ge [sflag:s13], $0x2800  }
0x2c: {  	[sflag:s13] =	ssyncset.done $0x0  }
0x2d: {  	[sflag:s13] =	ssyncadd.s32 $0xFFFFD800  }
0x2e: {  	s19 =	sadd.s32 $0x0, s8;
	[bflag:$0x0] =	sbarrier.arrive $0xFFFF  }
0x2f: {  	[tilespmem:s3], [sflag:$0x2] =	stream.linear.gather [hbm4b:s19+s3], $0x80, $0x38;
	[tilespmem:$0x18100] =	vst v63  }
0x30: {  	_ =	swait.ge [sflag:s13], $0x80  }
0x31: {  	[sflag:s13] =	ssyncset.done $0x0  }
0x32: {  	s31 =	sadd.s32 $0x0, s9;
	[sflag:s13] =	ssyncadd.s32 $0xFFFFFF80  }
0x33: {  	[tilespmem:s14], [sflag:$0x2] =	stream.linear.gather [hbm4b:s31+s3], $0x80, $0x38;
	[tilespmem:$0x18100] =	vst v63  }
0x34: {  	_ =	swait.ge [sflag:s13], $0x80  }
0x35: {  	[sflag:s13] =	ssyncset.done $0x0  }
0x36: {  	[sflag:s13] =	ssyncadd.s32 $0xFFFFFF80  }
0x37: {  	[tilespmem:s15], [sflag:$0x1] =	stream.indirect.gather [hbm4b:s4+s14], $0x80, s3, s14, $0xb8;
	[tilespmem:$0x18100] =	vst v63  }
0x38: {  	_ =	swait.ge [sflag:s16], $0x4000  }
0x39: {  	[sflag:s16] =	ssyncset.done $0x0  }
0x3a: {  	[sflag:s16] =	ssyncadd.s32 $0xFFFFC000  }
0x3b: {  	[spmem:s2] =	stream.indirect.scatter.add.f32 [tilespmem:s15], [sflag:$0x2], $0x80, s14, s14, $0xb8;
	[tilespmem:$0x18100] =	vst v63  }
0x3c: {  	_ =	swait.ge [sflag:s13], $0x4000  }
0x3d: {  	s20 =	simm.s32 $0x20;
	s19 =	simm.s32 $0x10;
	[sflag:s13] =	ssyncset.done $0x0  }
.LBB2_2:
0x3e: {  	s21 =	sadd.s32 s19, s8  }
0x3f: {  	[sflag:s13] =	ssyncadd.s32 $0xFFFFC000;
	s22 =	smov.u32 s20;
	s23 =	sadd.s32 $0x10, s20  }
0x40: {  	[tilespmem:s3], [sflag:$0x2] =	stream.linear.gather [hbm4b:s21+s3], $0x80, $0x38;
	[tilespmem:$0x18100] =	vst v63  }
0x41: {  	p1 =	sne.s32 s20, $0x3F0;
	_ =	swait.ge [sflag:s13], $0x80  }
0x42: {  	[sflag:s13] =	ssyncset.done $0x0  }
0x43: {  	s20 =	sadd.s32 s19, s9;
	s19 =	smov.u32 s22;
	[sflag:s13] =	ssyncadd.s32 $0xFFFFFF80  }
0x44: {  	[tilespmem:s14], [sflag:$0x2] =	stream.linear.gather [hbm4b:s20+s3], $0x80, $0x38;
	[tilespmem:$0x18100] =	vst v63  }
0x45: {  	_ =	swait.ge [sflag:s13], $0x80  }
0x46: {  	[sflag:s13] =	ssyncset.done $0x0  }
0x47: {  	[sflag:s13] =	ssyncadd.s32 $0xFFFFFF80  }
0x48: {  	[tilespmem:s15], [sflag:$0x1] =	stream.indirect.gather [hbm4b:s4+s14], $0x80, s3, s14, $0xb8;
	[tilespmem:$0x18100] =	vst v63  }
0x49: {  	_ =	swait.ge [sflag:s16], $0x4000  }
.Ltmp2:
0x4a: {  	[sflag:s16] =	ssyncset.done $0x0;
	(pc) =	sbr.rel @p1 .LBB2_2-.Ltmp2, $4  }
0x4b: {  	[sflag:s16] =	ssyncadd.s32 $0xFFFFC000  }
0x4c: {  	[spmem:s2] =	stream.indirect.scatter.add.f32 [tilespmem:s15], [sflag:$0x2], $0x80, s14, s14, $0xb8;
	[tilespmem:$0x18100] =	vst v63  }
0x4d: {  	_ =	swait.ge [sflag:s13], $0x4000  }
0x4e: {  	s20 =	smov.u32 s23;
	[sflag:s13] =	ssyncset.done $0x0  }
0x4f: {  	s20 =	sadd.s32 s19, s8;
	[sflag:s13] =	ssyncadd.s32 $0xFFFFC000  }
0x50: {  	[tilespmem:s3], [sflag:$0x2] =	stream.linear.gather [hbm4b:s20+s3], $0x80, $0x38;
	[tilespmem:$0x18100] =	vst v63  }
0x51: {  	_ =	swait.ge [sflag:s13], $0x80  }
0x52: {  	[sflag:s13] =	ssyncset.done $0x0  }
0x53: {  	s31 =	sadd.s32 s19, s9;
	[sflag:s13] =	ssyncadd.s32 $0xFFFFFF80  }
0x54: {  	[tilespmem:s14], [sflag:$0x2] =	stream.linear.gather [hbm4b:s31+s3], $0x80, $0x38;
	[tilespmem:$0x18100] =	vst v63  }
0x55: {  	_ =	swait.ge [sflag:s13], $0x80  }
0x56: {  	[sflag:s13] =	ssyncset.done $0x0  }
0x57: {  	[sflag:s13] =	ssyncadd.s32 $0xFFFFFF80  }
0x58: {  	[tilespmem:s15], [sflag:$0x1] =	stream.indirect.gather [hbm4b:s4+s14], $0x80, s3, s14, $0xb8;
	[tilespmem:$0x18100] =	vst v63  }
0x59: {  	_ =	swait.ge [sflag:s16], $0x4000  }
0x5a: {  	[sflag:s16] =	ssyncset.done $0x0  }
.Ltmp3:
0x5b: {  	[sflag:s16] =	ssyncadd.s32 $0xFFFFC000;
	(pc) =	sbr.rel @p0 .LBB2_7-.Ltmp3, $4  }
0x5c: {  	[spmem:s2] =	stream.indirect.scatter.add.f32 [tilespmem:s15], [sflag:$0x2], $0x80, s14, s14, $0xb8;
	[tilespmem:$0x18100] =	vst v63  }
0x5d: {  	_ =	swait.ge [sflag:s13], $0x4000  }
0x5e: {  	[sflag:s13] =	ssyncset.done $0x0  }
0x5f: {  	[sflag:s13] =	ssyncadd.s32 $0xFFFFC000  }
0x60: {  	s19 =	sadd.s32 $0x0, s10  }
0x61: {  	[tilespmem:s3], [sflag:$0x2] =	stream.linear.gather [hbm4b:s19+s3], $0x80, $0x38;
	[tilespmem:$0x18100] =	vst v63  }
0x62: {  	_ =	swait.ge [sflag:s13], $0x80  }
0x63: {  	[sflag:s13] =	ssyncset.done $0x0  }
0x64: {  	s31 =	sadd.s32 $0x0, s11;
	[sflag:s13] =	ssyncadd.s32 $0xFFFFFF80  }
0x65: {  	[tilespmem:s14], [sflag:$0x2] =	stream.linear.gather [hbm4b:s31+s3], $0x80, $0x38;
	[tilespmem:$0x18100] =	vst v63  }
0x66: {  	_ =	swait.ge [sflag:s13], $0x80  }
0x67: {  	[sflag:s13] =	ssyncset.done $0x0  }
0x68: {  	[sflag:s13] =	ssyncadd.s32 $0xFFFFFF80  }
0x69: {  	[tilespmem:s15], [sflag:$0x1] =	stream.indirect.gather [hbm4b:s4+s14], $0x80, s3, s14, $0xb8;
	[tilespmem:$0x18100] =	vst v63  }
0x6a: {  	_ =	swait.ge [sflag:s16], $0x4000  }
0x6b: {  	[sflag:s16] =	ssyncset.done $0x0  }
0x6c: {  	[sflag:s16] =	ssyncadd.s32 $0xFFFFC000  }
0x6d: {  	[spmem:s2] =	stream.indirect.scatter.add.f32 [tilespmem:s15], [sflag:$0x2], $0x80, s14, s14, $0xb8;
	[tilespmem:$0x18100] =	vst v63  }
0x6e: {  	_ =	swait.ge [sflag:s13], $0x4000  }
0x6f: {  	s20 =	simm.s32 $0x20;
	s19 =	simm.s32 $0x10;
	[sflag:s13] =	ssyncset.done $0x0  }
.LBB2_5:
0x70: {  	s21 =	sadd.s32 s19, s10  }
0x71: {  	[sflag:s13] =	ssyncadd.s32 $0xFFFFC000;
	s22 =	smov.u32 s20;
	s23 =	sadd.s32 $0x10, s20  }
0x72: {  	[tilespmem:s3], [sflag:$0x2] =	stream.linear.gather [hbm4b:s21+s3], $0x80, $0x38;
	[tilespmem:$0x18100] =	vst v63  }
0x73: {  	p1 =	sne.s32 s20, $0x1D0;
	_ =	swait.ge [sflag:s13], $0x80  }
0x74: {  	[sflag:s13] =	ssyncset.done $0x0  }
0x75: {  	s20 =	sadd.s32 s19, s11;
	s19 =	smov.u32 s22;
	[sflag:s13] =	ssyncadd.s32 $0xFFFFFF80  }
0x76: {  	[tilespmem:s14], [sflag:$0x2] =	stream.linear.gather [hbm4b:s20+s3], $0x80, $0x38;
	[tilespmem:$0x18100] =	vst v63  }
0x77: {  	_ =	swait.ge [sflag:s13], $0x80  }
0x78: {  	[sflag:s13] =	ssyncset.done $0x0  }
0x79: {  	[sflag:s13] =	ssyncadd.s32 $0xFFFFFF80  }
0x7a: {  	[tilespmem:s15], [sflag:$0x1] =	stream.indirect.gather [hbm4b:s4+s14], $0x80, s3, s14, $0xb8;
	[tilespmem:$0x18100] =	vst v63  }
0x7b: {  	_ =	swait.ge [sflag:s16], $0x4000  }
.Ltmp4:
0x7c: {  	[sflag:s16] =	ssyncset.done $0x0;
	(pc) =	sbr.rel @p1 .LBB2_5-.Ltmp4, $4  }
0x7d: {  	[sflag:s16] =	ssyncadd.s32 $0xFFFFC000  }
0x7e: {  	[spmem:s2] =	stream.indirect.scatter.add.f32 [tilespmem:s15], [sflag:$0x2], $0x80, s14, s14, $0xb8;
	[tilespmem:$0x18100] =	vst v63  }
0x7f: {  	_ =	swait.ge [sflag:s13], $0x4000  }
0x80: {  	s20 =	smov.u32 s23;
	[sflag:s13] =	ssyncset.done $0x0  }
.Ltmp5:
0x81: {  	_ = 	snop;
	(pc) =	sbr.rel .LBB2_6-.Ltmp5, $1  }
0x82: {  	_ =	sdelay $0x3  }
.LBB2_8:
0x83: {  	_ =	sfence.sel $0x180000  }
0x84: {  	[bflag:$0x0] =	sbarrier.arrive $0xFFFF  }
0x85: {  	p0 =	sne.s32 s1, $0x0;
	_ =	strace $0x9000004A  }
0x86: {  	s0 =	sadd.s32 @!p0 $0x100000, s0;
	[bflag:$0x2] =	sbarrier.arrive $0xFFFF  }
0x87: {  	[sflag:s0] =	ssyncadd.tile.s32 @!p0 $0x1;
	_ =	shalt  }
.Lfunc_end2:
_tile_overlayer_lowered:
.L_overlay_start_2:
0x88: {  	(tag) =	ssettag $0x2  }
0x89: {  	s0 =	rddreg [dreg:$0x0];
	s2 =	stileid.u32  }
0x8a: {  	s1 =	rddreg [dreg:$0x1];
	p0 =	sne.s32 s2, $0x0  }
0x8b: {  	s3 =	rddreg [dreg:$0x2];
	[bflag:$0x3] =	sbarrier.arrive $0xFFFF;
	s2 =	simm.s32 @!p0 $0x1C02  }
0x8c: {  	[timem:s3], [sflag:s2] =	dma.local @!p0 [hbm:s0], s1  }
0x8d: {  	s0 =	simm.s32 @!p0 $0x2  }
0x8e: {  	_ =	swait.ge @!p0 [sflag:s0], s1  }
0x8f: {  	s1 =	ssub.s32 @!p0 $0x0, s1;
	[sflag:s0] =	ssyncset.done @!p0 $0x0  }
0x90: {  	[sflag:s0] =	ssyncadd.s32 @!p0 s1  }
0x91: {  	[bflag:$0x3] =	sbarrier.arrive $0xFFFF  }
0x92: {  	_ =	shalt  }

// kernel: kernel.7.cloned.1.call-start
scs
__scs_entry_jumppad:
0x0: {  	(pc) =	sbr.rel $0x88, $3  }
0x1: {  	(tag) =	ssettag $0x0;
	lr =	simm.s32 $0x1  }
0x2: {  	[smem:$0x3F99] =	sst lr;
	_ =	strace $0xD0000000  }
0x3: {  	_ = 	snop  }
0x4: {  	_ = 	snop  }
0x5: {  	_ = 	snop  }
0x6: {  	_ = 	snop  }
0x7: {  	_ = 	snop  }
__scs_overlays_trampoline_lowered:
0x8: {  	[smem:$0x3FA8] =	sst s0  }
0x9: {  	[smem:$0x3FA9] =	sst s1  }
0xa: {  	[smem:$0x3FAA] =	sst s2  }
0xb: {  	[smem:$0x3FAB] =	sst s3  }
0xc: {  	[smem:$0x3FAC] =	sst s4  }
0xd: {  	[smem:$0x3FAD] =	sst s5  }
0xe: {  	[smem:$0x3FAE] =	sst s6  }
0xf: {  	[smem:$0x3FAF] =	sst s7  }
0x10: {  	[smem:$0x3FB0] =	sst s8  }
0x11: {  	[smem:$0x3FB1] =	sst s9;
	s0 =	simm.s32 @!p0 $0x0  }
0x12: {  	s1 =	sld [smem:$0x3F97];
	s0 =	simm.s32 @p0 $0x1  }
0x13: {  	[smem:$0x3FB2] =	sst s0;
	s0 =	simm.s32 @!p1 $0x0  }
0x14: {  	s2 =	sld [smem:$0x3F96];
	s0 =	simm.s32 @p1 $0x1  }
0x15: {  	[smem:$0x3FB3] =	sst s0;
	s0 =	simm.s32 @!p2 $0x0  }
0x16: {  	s3 =	sld [smem:$0x3FDB];
	s0 =	simm.s32 @p2 $0x1  }
0x17: {  	s4 =	simm.s32 $0x1BF5;
	[smem:$0x3FB5] =	sst s0  }
0x18: {  	s0 =	sld [smem:$0x3F98];
	_ =	swait.ge [sflag:s4], $0x0  }
0x19: {  	s7 =	sld [smem:$0x3F99]  }
0x1a: {  	s8 =	sadd.s32 $0xFFFFE003, lr  }
0x1b: {  	s9 =	sadd.s32 $0xFFFFFEF7, lr;
	s5 =	simm.s32 $0xFFFFFFFF;
	p2 =	slt.u32 s8, $0xFFFFF086  }
0x1c: {  	p1 =	slt.u32 s9, $0xF7A;
	s5 =	simm.s32 @!p2 $0x0  }
0x1d: {  	s5 =	simm.s32 @p1 $0x1;
	p0 =	seq.s32 s7, s2  }
0x1e: {  	s7 =	smul.u32 @!p0 $0xF7A, s2;
	p2 =	seq.s32 @!p0 s5, $0x0  }
0x1f: {  	s9 =	smul.u32 $0xF7A, s1;
	s8 =	simm.s32 @!p0 $0x1BF5;
	p2 =	por !p2, p0  }
0x20: {  	[sflag:s8] =	ssyncset.s32 @!p0 $0xFFFFF086;
	s6 =	sadd.s32 @!p0 s3, s7;
	s7 =	simm.s32 @!p0 $0x108  }
0x21: {  	s3 =	sadd.s32 s3, s9;
	s6 =	sadd.s32 @!p0 $0x88, s6;
	s7 =	simm.s32 @p2 $0x1082  }
0x22: {  	[simem:s7], [sflag:s8] =	dma.local @!p0 [hbm:s6], $0xF7A  }
0x23: {  	s9 =	sor.u32 $0xD0000000, s2;
	s6 =	simm.s32 $0x108;
	_ =	swait.ge @!p0 [sflag:s8], $0x0  }
0x24: {  	s3 =	sadd.s32 $0x88, s3;
	s6 =	simm.s32 @!p1 $0x1082;
	[sflag:s4] =	ssyncset.s32 $0xFFFFF086  }
0x25: {  	[simem:s6], [sflag:s4] =	dma.local [hbm:s3], $0xF7A  }
0x26: {  	[smem:$0x3F99] =	sst s1;
	(tag) =	ssettag s2;
	_ =	strace s9  }
0x27: {  	s1 =	sld [smem:$0x3FA9]  }
0x28: {  	s2 =	sld [smem:$0x3FAA]  }
0x29: {  	s4 =	sld [smem:$0x3FAC]  }
0x2a: {  	p0 =	seq.s32 s5, $0x0;
	s5 =	sld [smem:$0x3FAD]  }
0x2b: {  	s6 =	sld [smem:$0x3FAE]  }
0x2c: {  	s7 =	sld [smem:$0x3FAF]  }
0x2d: {  	s3 =	simm.s32 $0x108;
	s8 =	sld [smem:$0x3FB0]  }
0x2e: {  	s3 =	simm.s32 @!p0 $0x1082;
	s9 =	sld [smem:$0x3FB1]  }
0x2f: {  	lr =	sadd.s32 s0, s3;
	s0 =	sld [smem:$0x3FA8]  }
0x30: {  	s3 =	sld [smem:$0x3FAB]  }
0x31: {  	[smem:$0x3FB4] =	sst s10  }
0x32: {  	s10 =	sld [smem:$0x3FB2];
	_ =	sdelay $0x3  }
0x33: {  	p0 =	seq.s32 s10, $0x1;
	s10 =	sld [smem:$0x3FB4];
	_ =	sdelay $0x3  }
0x34: {  	[smem:$0x3FB4] =	sst s10  }
0x35: {  	s10 =	sld [smem:$0x3FB3];
	_ =	sdelay $0x3  }
0x36: {  	p1 =	seq.s32 s10, $0x1;
	s10 =	sld [smem:$0x3FB4];
	_ =	sdelay $0x3  }
0x37: {  	[smem:$0x3FB4] =	sst s10  }
0x38: {  	s10 =	sld [smem:$0x3FB5]  }
0x39: {  	_ = 	snop;
	(pc) =	sbr.ind lr, $3  }
0x3a: {  	_ = 	snop  }
0x3b: {  	_ = 	snop  }
0x3c: {  	p2 =	seq.s32 s10, $0x1;
	s10 =	sld [smem:$0x3FB4]  }
0x3d: {  	_ =	shalt  }
0x3e: {  	_ =	shalt  }
0x3f: {  	_ =	shalt  }
0x40: {  	_ =	shalt  }
0x41: {  	_ =	shalt  }
0x42: {  	_ =	shalt  }
0x43: {  	_ =	shalt  }
0x44: {  	_ =	shalt  }
0x45: {  	_ =	shalt  }
0x46: {  	_ =	shalt  }
0x47: {  	_ =	shalt  }
0x48: {  	_ =	shalt  }
0x49: {  	_ =	shalt  }
0x4a: {  	_ =	shalt  }
0x4b: {  	_ =	shalt  }
0x4c: {  	_ =	shalt  }
0x4d: {  	_ =	shalt  }
0x4e: {  	_ =	shalt  }
0x4f: {  	_ =	shalt  }
0x50: {  	_ =	shalt  }
0x51: {  	_ =	shalt  }
0x52: {  	_ =	shalt  }
0x53: {  	_ =	shalt  }
0x54: {  	_ =	shalt  }
0x55: {  	_ =	shalt  }
0x56: {  	_ =	shalt  }
0x57: {  	_ =	shalt  }
0x58: {  	_ =	shalt  }
0x59: {  	_ =	shalt  }
0x5a: {  	_ =	shalt  }
0x5b: {  	_ =	shalt  }
0x5c: {  	_ =	shalt  }
0x5d: {  	_ =	shalt  }
0x5e: {  	_ =	shalt  }
0x5f: {  	_ =	shalt  }
0x60: {  	_ =	shalt  }
0x61: {  	_ =	shalt  }
0x62: {  	_ =	shalt  }
0x63: {  	_ =	shalt  }
0x64: {  	_ =	shalt  }
0x65: {  	_ =	shalt  }
0x66: {  	_ =	shalt  }
0x67: {  	_ =	shalt  }
0x68: {  	_ =	shalt  }
0x69: {  	_ =	shalt  }
0x6a: {  	_ =	shalt  }
0x6b: {  	_ =	shalt  }
0x6c: {  	_ =	shalt  }
0x6d: {  	_ =	shalt  }
0x6e: {  	_ =	shalt  }
0x6f: {  	_ =	shalt  }
0x70: {  	_ =	shalt  }
0x71: {  	_ =	shalt  }
0x72: {  	_ =	shalt  }
0x73: {  	_ =	shalt  }
0x74: {  	_ =	shalt  }
0x75: {  	_ =	shalt  }
0x76: {  	_ =	shalt  }
0x77: {  	_ =	shalt  }
0x78: {  	_ =	shalt  }
0x79: {  	_ =	shalt  }
0x7a: {  	_ =	shalt  }
0x7b: {  	_ =	shalt  }
0x7c: {  	_ =	shalt  }
0x7d: {  	_ =	shalt  }
0x7e: {  	_ =	shalt  }
0x7f: {  	_ =	shalt  }
0x80: {  	_ =	shalt  }
0x81: {  	_ =	shalt  }
0x82: {  	_ =	shalt  }
0x83: {  	_ =	shalt  }
0x84: {  	_ =	shalt  }
0x85: {  	_ =	shalt  }
0x86: {  	_ =	shalt  }
0x87: {  	_ =	shalt  }
.Lfunc_end0:
.L_simem_size_0:
called_computation_lowered:
.L_overlay_start_0:
0x88: {  	s2 =	sld [smem:$0x3FD9]  }
0x89: {  	s3 =	sld [smem:$0x3FFE];
	_ =	sdelay $0x1  }
0x8a: {  	s1 =	srdreg.scid  }
0x8b: {  	s0 =	sand.u32 $0x1, s1  }
0x8c: {  	s17 =	sshll.u32 s0, $0xA;
	s2 =	sadd.s32 s3, s2  }
0x8d: {  	s2 =	sadd.s32 s2, s17  }
0x8e: {  	[smem:$0x3FC0] =	sst s2  }
0x8f: {  	_ = 	snop  }
0x90: {  	s2 =	sld [smem:$0x3FD0];
	(tm) =	ssettm $0x1  }
0x91: {  	s18 =	sld [smem:$0x3FFB];
	_ =	sdelay $0x3  }
0x92: {  	_ =	strace s18  }
0x93: {  	s3 =	sld [smem:$0x3FFC];
	_ =	sdelay $0x3  }
0x94: {  	_ =	strace s3  }
0x95: {  	s3 =	sld [smem:$0x3FFD];
	_ =	sdelay $0x3  }
0x96: {  	_ =	strace s3  }
0x97: {  	_ =	strace $0x8FFFFFFF  }
0x98: {  	s19 =	sld [smem:$0x3FDB];
	_ =	sdelay $0x1  }
0x99: {  	s4 =	simm.s32 $_scs_section_size  }
0x9a: {  	s5 =	simm.s32 $_size__tile_overlayer_lowered;
	s6 =	simm.s32 $_tile_overlayer_lowered  }
0x9b: {  	s22 =	simm.s32 $0x1BFF;
	s21 =	sshll.u32 s6, $0x1;
	s3 =	sadd.s32 s4, s19  }
0x9c: {  	s7 =	simm.s32 $0x0;
	s20 =	sshll.u32 s5, $0x1;
	s5 =	sadd.s32 s21, s3  }
0x9d: {  	[timem:s7], [sflag:s22] =	dma.local [hbm:s5], s20  }
0x9e: {  	_ =	swait.ge [sflag:s22], s20  }
0x9f: {  	s4 =	ssub.s32 $0x0, s20;
	[sflag:s22] =	ssyncset.done $0x0  }
0xa0: {  	[sflag:s22] =	ssyncadd.s32 s4;
	_ =	sdelay $0x1  }
0xa1: {  	s23 =	simm.s32 $0x1B8B  }
0xa2: {  	_ =	swait.ge [sflag:s23], $0x1  }
0xa3: {  	[sflag:s23] =	ssyncset.done $0x0  }
0xa4: {  	s25 =	simm.s32 $0x1B8E;
	s24 =	sld [smem:$0x3FFE];
	[sflag:s23] =	ssyncadd.s32 $0xFFFFFFFF  }
0xa5: {  	s26 =	simm.s32 $execute0_lowered;
	[smem:$0x3FD2] =	sst s25  }
0xa6: {  	s5 =	sshll.u32 s26, $0x1;
	_ =	strace $0x80000046;
	[dreg:$0x1] =	wrdreg $0xFFFFFFFF  }
0xa7: {  	s28 =	simm.s32 $_size_execute0_lowered;
	s3 =	sadd.s32 s3, s5;
	[dreg:$0x0] =	wrdreg $0x0  }
0xa8: {  	s5 =	sshll.u32 s28, $0x1;
	[dreg:$0x2] =	wrdreg s3  }
0xa9: {  	[dreg:$0x3] =	wrdreg s5  }
0xaa: {  	[dreg:$0x4] =	wrdreg $0xC0  }
0xab: {  	_ =	task [dreg:s7], $0x5FFFF  }
0xac: {  	[dreg:$0x1] =	wrdreg $0xFFFFFFFF  }
0xad: {  	[dreg:$0x0] =	wrdreg $0x60  }
0xae: {  	[dreg:$0x2] =	wrdreg s24  }
0xaf: {  	[dreg:$0x3] =	wrdreg s2  }
0xb0: {  	[dreg:$0x4] =	wrdreg $0x41000  }
0xb1: {  	[dreg:$0x5] =	wrdreg $0x9  }
0xb2: {  	_ =	task.clear_ibuf [dreg:s7], $0x6FFFF;
	_ =	strace $0x90000046  }
0xb3: {  	s29 =	simm.s32 $0x9;
	_ =	strace $0x80000048  }
0xb4: {  	_ =	swait.ge [sflag:s29], $0x1  }
0xb5: {  	[sflag:s29] =	ssyncadd.s32 $0xFFFFFFFF  }
0xb6: {  	_ =	strace $0x90000048  }
0xb7: {  	_ =	sfence  }
0xb8: {  	s30 =	sld [smem:$0x0];
	_ =	sdelay $0x2  }
0xb9: {  	s31 =	sshll.u32 s1, $0xD;
	s1 =	sshrl.u32 s1, $0x2  }
0xba: {  	s3 =	sand.u32 $0x4000, s31;
	s1 =	sadd.s32 s1, s30  }
0xbb: {  	s0 =	sor.u32 s3, s0;
	s1 =	sshll.u32 s1, $0x11  }
0xbc: {  	s0 =	sor.u32 s1, s0  }
0xbd: {  	s0 =	sadd.s32 $0x8F2B, s0  }
0xbe: {  	[sflag:s0] =	ssyncadd.remote.s32 $0x1  }
0xbf: {  	_ =	sfence.sel $0xFFFF  }
0xc0: {  	[dreg:$0x0] =	wrdreg $0xFFFFFFFF;
	(pc) =	sbr.abs _section_cstart, $3  }
0xc1: {  	[dreg:$0x1] =	wrdreg $0xFFFFFFFF  }
0xc2: {  	_ =	task.clear_ibuf [dreg:s7], $0x2FFFF;
	_ =	strace $0x9FFFFFFF  }
0xc3: {  	(tm) =	ssettm $0x7FFFFFFF  }
tec
execute0_lowered:
.L_overlay_start_1:
0x0: {  	(tag) =	ssettag $0x1  }
0x1: {  	s6 =	rddreg [dreg:$0x0]  }
0x2: {  	s9 =	rddreg [dreg:$0x1]  }
0x3: {  	s2 =	rddreg [dreg:$0x2]  }
0x4: {  	s0 =	rddreg [dreg:$0x3];
	s3 =	simm.s32 $0x0  }
0x5: {  	s4 =	srdreg.scid;
	s1 =	stileid.u32;
	s15 =	simm.s32 $0x100  }
0x6: {  	s16 =	simm.s32 $0x1;
	s17 =	sand.u32 $0x1, s4;
	s4 =	smul.u32 $0x5E, s1  }
0x7: {  	s7 =	sshll.u32 s1, $0x6;
	[smem:$0x7FF] =	sst s3;
	s11 =	smul.u32 $0x50000, s1  }
0x8: {  	s19 =	smul.u32 $0x2800, s1;
	p0 =	seq.s32 s17, $0x0;
	s5 =	sadd.s32 $0x5E0, s7  }
0x9: {  	_ =	strace $0x80000047;
	s8 =	smul.u32 $0x28000, s17;
	s13 =	ssub.s32 $0x2, s17  }
0xa: {  	s5 =	smov.u32 @p0 s4;
	s4 =	sadd.s32 $0xB800, s6;
	s31 =	sshrl.u32 s13, $0x1  }
0xb: {  	s11 =	sshrl.u32 s11, $0x2;
	p0 =	sne.s32 s17, $0x0;
	s10 =	sshll.u32 s5, $0x4  }
0xc: {  	s5 =	sadd.s32 $0x33800, s6;
	s8 =	sadd.s32 s8, s6;
	s13 =	ssub.s32 s13, s31  }
.Ltmp0:
0xd: {  	s14 =	sadd.s32 s11, s2;
	s12 =	sadd.s32 s10, s6;
	(pc) =	sbr.rel .LBB2_1-.Ltmp0, $4  }
0xe: {  	s6 =	sor.u32 $0x1C02, s7;
	s18 =	sadd.s32 $0x36000, s8;
	s7 =	smax.u32 s13, $0x1  }
0xf: {  	s9 =	sadd.s32 s10, s9;
	s13 =	simm.s32 $0x2;
	s8 =	sadd.s32 $0x1A00, s12  }
0x10: {  	s10 =	sadd.s32 $0x1E00, s12;
	s11 =	sadd.s32 $0x400, s9;
	s12 =	sshrl.u32 s14, $0x3  }
0x11: {  	s14 =	simm.s32 $0x80;
	s17 =	sadd.s32 s19, s18;
	s18 =	simm.s32 $0x0  }
.LBB2_6:
0x12: {  	s20 =	sadd.s32 s19, s10;
	[sflag:s13] =	ssyncadd.s32 $0xFFFFC000  }
0x13: {  	[tilespmem:s3], [sflag:$0x2] =	stream.linear.gather [hbm4b:s20+s3], $0x80, $0x38;
	[tilespmem:$0x18100] =	vst v63  }
0x14: {  	_ =	swait.ge [sflag:s13], $0x80  }
0x15: {  	[sflag:s13] =	ssyncset.done $0x0  }
0x16: {  	s31 =	sadd.s32 s19, s11;
	[sflag:s13] =	ssyncadd.s32 $0xFFFFFF80  }
0x17: {  	[tilespmem:s14], [sflag:$0x2] =	stream.linear.gather [hbm4b:s31+s3], $0x80, $0x38;
	[tilespmem:$0x18100] =	vst v63  }
0x18: {  	_ =	swait.ge [sflag:s13], $0x80  }
0x19: {  	[sflag:s13] =	ssyncset.done $0x0  }
0x1a: {  	[sflag:s13] =	ssyncadd.s32 $0xFFFFFF80  }
0x1b: {  	[tilespmem:s15], [sflag:$0x1] =	stream.indirect.gather [hbm4b:s4+s14], $0x80, s3, s14, $0xb8;
	[tilespmem:$0x18100] =	vst v63  }
0x1c: {  	_ =	swait.ge [sflag:s16], $0x4000  }
0x1d: {  	[sflag:s16] =	ssyncset.done $0x0  }
0x1e: {  	[sflag:s16] =	ssyncadd.s32 $0xFFFFC000  }
0x1f: {  	[spmem:s2] =	stream.indirect.scatter.add.f32 [tilespmem:s15], [sflag:$0x2], $0x80, s14, s14, $0xb8;
	[tilespmem:$0x18100] =	vst v63  }
0x20: {  	_ =	swait.ge [sflag:s13], $0x4000  }
0x21: {  	[sflag:s13] =	ssyncset.done $0x0  }
0x22: {  	[sflag:s13] =	ssyncadd.s32 $0xFFFFC000  }
.LBB2_7:
0x23: {  	s18 =	sadd.s32 $0x1, s18  }
0x24: {  	p1 =	sne.s32 s18, s7  }
.Ltmp1:
0x25: {  	[bflag:$0x0] =	sbarrier.arrive $0xFFFF;
	(pc) =	sbr.rel @!p1 .LBB2_8-.Ltmp1, $4  }
0x26: {  	[hbm:s17], [sflag:s6] =	dma.local [spmem:s12], $0x2800  }
0x27: {  	_ =	swait.ge [sflag:s13], $0x2800  }
0x28: {  	[sflag:s13] =	ssyncset.done $0x0  }
0x29: {  	[sflag:s13] =	ssyncadd.s32 $0xFFFFD800  }
.LBB2_1:
0x2a: {  	[spmem:s12], [sflag:s6] =	dma.local [hbm:s5], $0x2800  }
0x2b: {  	_ =	swait.ge [sflag:s13], $0x2800  }
0x2c: {  	[sflag:s13] =	ssyncset.done $0x0  }
0x2d: {  	[sflag:s13] =	ssyncadd.s32 $0xFFFFD800  }
0x2e: {  	s19 =	sadd.s32 $0x0, s8;
	[bflag:$0x0] =	sbarrier.arrive $0xFFFF  }
0x2f: {  	[tilespmem:s3], [sflag:$0x2] =	stream.linear.gather [hbm4b:s19+s3], $0x80, $0x38;
	[tilespmem:$0x18100] =	vst v63  }
0x30: {  	_ =	swait.ge [sflag:s13], $0x80  }
0x31: {  	[sflag:s13] =	ssyncset.done $0x0  }
0x32: {  	s31 =	sadd.s32 $0x0, s9;
	[sflag:s13] =	ssyncadd.s32 $0xFFFFFF80  }
0x33: {  	[tilespmem:s14], [sflag:$0x2] =	stream.linear.gather [hbm4b:s31+s3], $0x80, $0x38;
	[tilespmem:$0x18100] =	vst v63  }
0x34: {  	_ =	swait.ge [sflag:s13], $0x80  }
0x35: {  	[sflag:s13] =	ssyncset.done $0x0  }
0x36: {  	[sflag:s13] =	ssyncadd.s32 $0xFFFFFF80  }
0x37: {  	[tilespmem:s15], [sflag:$0x1] =	stream.indirect.gather [hbm4b:s4+s14], $0x80, s3, s14, $0xb8;
	[tilespmem:$0x18100] =	vst v63  }
0x38: {  	_ =	swait.ge [sflag:s16], $0x4000  }
0x39: {  	[sflag:s16] =	ssyncset.done $0x0  }
0x3a: {  	[sflag:s16] =	ssyncadd.s32 $0xFFFFC000  }
0x3b: {  	[spmem:s2] =	stream.indirect.scatter.add.f32 [tilespmem:s15], [sflag:$0x2], $0x80, s14, s14, $0xb8;
	[tilespmem:$0x18100] =	vst v63  }
0x3c: {  	_ =	swait.ge [sflag:s13], $0x4000  }
0x3d: {  	s20 =	simm.s32 $0x20;
	s19 =	simm.s32 $0x10;
	[sflag:s13] =	ssyncset.done $0x0  }
.LBB2_2:
0x3e: {  	s21 =	sadd.s32 s19, s8  }
0x3f: {  	[sflag:s13] =	ssyncadd.s32 $0xFFFFC000;
	s22 =	smov.u32 s20;
	s23 =	sadd.s32 $0x10, s20  }
0x40: {  	[tilespmem:s3], [sflag:$0x2] =	stream.linear.gather [hbm4b:s21+s3], $0x80, $0x38;
	[tilespmem:$0x18100] =	vst v63  }
0x41: {  	p1 =	sne.s32 s20, $0x3F0;
	_ =	swait.ge [sflag:s13], $0x80  }
0x42: {  	[sflag:s13] =	ssyncset.done $0x0  }
0x43: {  	s20 =	sadd.s32 s19, s9;
	s19 =	smov.u32 s22;
	[sflag:s13] =	ssyncadd.s32 $0xFFFFFF80  }
0x44: {  	[tilespmem:s14], [sflag:$0x2] =	stream.linear.gather [hbm4b:s20+s3], $0x80, $0x38;
	[tilespmem:$0x18100] =	vst v63  }
0x45: {  	_ =	swait.ge [sflag:s13], $0x80  }
0x46: {  	[sflag:s13] =	ssyncset.done $0x0  }
0x47: {  	[sflag:s13] =	ssyncadd.s32 $0xFFFFFF80  }
0x48: {  	[tilespmem:s15], [sflag:$0x1] =	stream.indirect.gather [hbm4b:s4+s14], $0x80, s3, s14, $0xb8;
	[tilespmem:$0x18100] =	vst v63  }
0x49: {  	_ =	swait.ge [sflag:s16], $0x4000  }
.Ltmp2:
0x4a: {  	[sflag:s16] =	ssyncset.done $0x0;
	(pc) =	sbr.rel @p1 .LBB2_2-.Ltmp2, $4  }
0x4b: {  	[sflag:s16] =	ssyncadd.s32 $0xFFFFC000  }
0x4c: {  	[spmem:s2] =	stream.indirect.scatter.add.f32 [tilespmem:s15], [sflag:$0x2], $0x80, s14, s14, $0xb8;
	[tilespmem:$0x18100] =	vst v63  }
0x4d: {  	_ =	swait.ge [sflag:s13], $0x4000  }
0x4e: {  	s20 =	smov.u32 s23;
	[sflag:s13] =	ssyncset.done $0x0  }
0x4f: {  	s20 =	sadd.s32 s19, s8;
	[sflag:s13] =	ssyncadd.s32 $0xFFFFC000  }
0x50: {  	[tilespmem:s3], [sflag:$0x2] =	stream.linear.gather [hbm4b:s20+s3], $0x80, $0x38;
	[tilespmem:$0x18100] =	vst v63  }
0x51: {  	_ =	swait.ge [sflag:s13], $0x80  }
0x52: {  	[sflag:s13] =	ssyncset.done $0x0  }
0x53: {  	s31 =	sadd.s32 s19, s9;
	[sflag:s13] =	ssyncadd.s32 $0xFFFFFF80  }
0x54: {  	[tilespmem:s14], [sflag:$0x2] =	stream.linear.gather [hbm4b:s31+s3], $0x80, $0x38;
	[tilespmem:$0x18100] =	vst v63  }
0x55: {  	_ =	swait.ge [sflag:s13], $0x80  }
0x56: {  	[sflag:s13] =	ssyncset.done $0x0  }
0x57: {  	[sflag:s13] =	ssyncadd.s32 $0xFFFFFF80  }
0x58: {  	[tilespmem:s15], [sflag:$0x1] =	stream.indirect.gather [hbm4b:s4+s14], $0x80, s3, s14, $0xb8;
	[tilespmem:$0x18100] =	vst v63  }
0x59: {  	_ =	swait.ge [sflag:s16], $0x4000  }
0x5a: {  	[sflag:s16] =	ssyncset.done $0x0  }
.Ltmp3:
0x5b: {  	[sflag:s16] =	ssyncadd.s32 $0xFFFFC000;
	(pc) =	sbr.rel @p0 .LBB2_7-.Ltmp3, $4  }
0x5c: {  	[spmem:s2] =	stream.indirect.scatter.add.f32 [tilespmem:s15], [sflag:$0x2], $0x80, s14, s14, $0xb8;
	[tilespmem:$0x18100] =	vst v63  }
0x5d: {  	_ =	swait.ge [sflag:s13], $0x4000  }
0x5e: {  	[sflag:s13] =	ssyncset.done $0x0  }
0x5f: {  	[sflag:s13] =	ssyncadd.s32 $0xFFFFC000  }
0x60: {  	s19 =	sadd.s32 $0x0, s10  }
0x61: {  	[tilespmem:s3], [sflag:$0x2] =	stream.linear.gather [hbm4b:s19+s3], $0x80, $0x38;
	[tilespmem:$0x18100] =	vst v63  }
0x62: {  	_ =	swait.ge [sflag:s13], $0x80  }
0x63: {  	[sflag:s13] =	ssyncset.done $0x0  }
0x64: {  	s31 =	sadd.s32 $0x0, s11;
	[sflag:s13] =	ssyncadd.s32 $0xFFFFFF80  }
0x65: {  	[tilespmem:s14], [sflag:$0x2] =	stream.linear.gather [hbm4b:s31+s3], $0x80, $0x38;
	[tilespmem:$0x18100] =	vst v63  }
0x66: {  	_ =	swait.ge [sflag:s13], $0x80  }
0x67: {  	[sflag:s13] =	ssyncset.done $0x0  }
0x68: {  	[sflag:s13] =	ssyncadd.s32 $0xFFFFFF80  }
0x69: {  	[tilespmem:s15], [sflag:$0x1] =	stream.indirect.gather [hbm4b:s4+s14], $0x80, s3, s14, $0xb8;
	[tilespmem:$0x18100] =	vst v63  }
0x6a: {  	_ =	swait.ge [sflag:s16], $0x4000  }
0x6b: {  	[sflag:s16] =	ssyncset.done $0x0  }
0x6c: {  	[sflag:s16] =	ssyncadd.s32 $0xFFFFC000  }
0x6d: {  	[spmem:s2] =	stream.indirect.scatter.add.f32 [tilespmem:s15], [sflag:$0x2], $0x80, s14, s14, $0xb8;
	[tilespmem:$0x18100] =	vst v63  }
0x6e: {  	_ =	swait.ge [sflag:s13], $0x4000  }
0x6f: {  	s20 =	simm.s32 $0x20;
	s19 =	simm.s32 $0x10;
	[sflag:s13] =	ssyncset.done $0x0  }
.LBB2_5:
0x70: {  	s21 =	sadd.s32 s19, s10  }
0x71: {  	[sflag:s13] =	ssyncadd.s32 $0xFFFFC000;
	s22 =	smov.u32 s20;
	s23 =	sadd.s32 $0x10, s20  }
0x72: {  	[tilespmem:s3], [sflag:$0x2] =	stream.linear.gather [hbm4b:s21+s3], $0x80, $0x38;
	[tilespmem:$0x18100] =	vst v63  }
0x73: {  	p1 =	sne.s32 s20, $0x1D0;
	_ =	swait.ge [sflag:s13], $0x80  }
0x74: {  	[sflag:s13] =	ssyncset.done $0x0  }
0x75: {  	s20 =	sadd.s32 s19, s11;
	s19 =	smov.u32 s22;
	[sflag:s13] =	ssyncadd.s32 $0xFFFFFF80  }
0x76: {  	[tilespmem:s14], [sflag:$0x2] =	stream.linear.gather [hbm4b:s20+s3], $0x80, $0x38;
	[tilespmem:$0x18100] =	vst v63  }
0x77: {  	_ =	swait.ge [sflag:s13], $0x80  }
0x78: {  	[sflag:s13] =	ssyncset.done $0x0  }
0x79: {  	[sflag:s13] =	ssyncadd.s32 $0xFFFFFF80  }
0x7a: {  	[tilespmem:s15], [sflag:$0x1] =	stream.indirect.gather [hbm4b:s4+s14], $0x80, s3, s14, $0xb8;
	[tilespmem:$0x18100] =	vst v63  }
0x7b: {  	_ =	swait.ge [sflag:s16], $0x4000  }
.Ltmp4:
0x7c: {  	[sflag:s16] =	ssyncset.done $0x0;
	(pc) =	sbr.rel @p1 .LBB2_5-.Ltmp4, $4  }
0x7d: {  	[sflag:s16] =	ssyncadd.s32 $0xFFFFC000  }
0x7e: {  	[spmem:s2] =	stream.indirect.scatter.add.f32 [tilespmem:s15], [sflag:$0x2], $0x80, s14, s14, $0xb8;
	[tilespmem:$0x18100] =	vst v63  }
0x7f: {  	_ =	swait.ge [sflag:s13], $0x4000  }
0x80: {  	s20 =	smov.u32 s23;
	[sflag:s13] =	ssyncset.done $0x0  }
.Ltmp5:
0x81: {  	_ = 	snop;
	(pc) =	sbr.rel .LBB2_6-.Ltmp5, $1  }
0x82: {  	_ =	sdelay $0x3  }
.LBB2_8:
0x83: {  	_ =	sfence.sel $0x180000  }
0x84: {  	[bflag:$0x0] =	sbarrier.arrive $0xFFFF  }
0x85: {  	p0 =	sne.s32 s1, $0x0;
	_ =	strace $0x90000047  }
0x86: {  	s0 =	sadd.s32 @!p0 $0x100000, s0;
	[bflag:$0x2] =	sbarrier.arrive $0xFFFF  }
0x87: {  	[sflag:s0] =	ssyncadd.tile.s32 @!p0 $0x1;
	_ =	shalt  }
.Lfunc_end2:
_tile_overlayer_lowered:
.L_overlay_start_2:
0x88: {  	(tag) =	ssettag $0x2  }
0x89: {  	s0 =	rddreg [dreg:$0x0];
	s2 =	stileid.u32  }
0x8a: {  	s1 =	rddreg [dreg:$0x1];
	p0 =	sne.s32 s2, $0x0  }
0x8b: {  	s3 =	rddreg [dreg:$0x2];
	[bflag:$0x3] =	sbarrier.arrive $0xFFFF;
	s2 =	simm.s32 @!p0 $0x1C02  }
0x8c: {  	[timem:s3], [sflag:s2] =	dma.local @!p0 [hbm:s0], s1  }
0x8d: {  	s0 =	simm.s32 @!p0 $0x2  }
0x8e: {  	_ =	swait.ge @!p0 [sflag:s0], s1  }
0x8f: {  	s1 =	ssub.s32 @!p0 $0x0, s1;
	[sflag:s0] =	ssyncset.done @!p0 $0x0  }
0x90: {  	[sflag:s0] =	ssyncadd.s32 @!p0 s1  }
0x91: {  	[bflag:$0x3] =	sbarrier.arrive $0xFFFF  }
0x92: {  	_ =	shalt  }

</sc_bundles>
